<compile_context>
chip_gen: v7x
topology: tpu7x:2x2x1
jax: 0.10.2.dev20260603
libtpu: 0.0.44.dev20260713+nightly
codegen_flags: <defaults>
</compile_context>

<pallas_src>
import functools

import jax
import jax.numpy as jnp
from jax import lax
from jax.experimental import pallas as pl
from jax.experimental.pallas import tpu as pltpu
from jax.experimental.pallas import tpu_sc as plsc

N_NODES = 10000
IN_DIM = 128
HID_DIM = 64
OUT_DIM = 2
N_EDGES = 320000

NC, NS, L = 2, 16, 16
NW = NC * NS
NPAD = 10240
CHUNK = 128
EPT = NPAD
E_PAD = EPT * NW
CPT = EPT // CHUNK
CBLK = 16
NR = NPAD // L
RPT = NR // NS
MROWS = NPAD // NS

_mesh = plsc.VectorSubcoreMesh(core_axis_name="c", subcore_axis_name="s")


@functools.partial(
    pl.kernel,
    out_type=jax.ShapeDtypeStruct((NW, NPAD), jnp.float32),
    mesh=_mesh,
    scratch_types=[
        pltpu.VMEM((CBLK, CHUNK), jnp.int32),
        pltpu.VMEM((NPAD,), jnp.float32),
    ],
    compiler_params=pltpu.CompilerParams(needs_layout_passes=False, use_tc_tiling_on_sc=False),
)
def _deg_kernel(dst2d, deg_out, dstbuf, acc):
    c = lax.axis_index("c")
    s = lax.axis_index("s")
    w = s * NC + c
    zeros = jnp.zeros((L,), jnp.float32)
    ones = jnp.full((L,), 1.0, jnp.float32)

    def zero_row(r, _):
        acc[pl.ds(r * L, L)] = zeros
        return 0

    lax.fori_loop(0, NPAD // L, zero_row, 0)

    base = w * CPT

    def blk(b, _):
        pltpu.sync_copy(dst2d.at[pl.ds(base + b * CBLK, CBLK)], dstbuf)

        def row(r, _):
            for i in range(CHUNK // L):
                idx = dstbuf[r, pl.ds(i * L, L)]
                plsc.addupdate_scatter(acc, [idx], ones)
            return 0

        lax.fori_loop(0, CBLK, row, 0)
        return 0

    lax.fori_loop(0, CPT // CBLK, blk, 0)
    pltpu.sync_copy(acc, deg_out.at[w])


NBUF = 8
GA = 7


@functools.partial(
    pl.kernel,
    out_type=jax.ShapeDtypeStruct((NC, NPAD, HID_DIM), jnp.float32),
    mesh=_mesh,
    scratch_types=[
        pltpu.VMEM((CPT, CHUNK), jnp.int32),
        pltpu.VMEM((CPT, CHUNK), jnp.int32),
        pltpu.VMEM((NBUF, CHUNK, HID_DIM), jnp.float32),
        pltpu.VMEM_SHARED((NPAD, HID_DIM), jnp.float32),
        pltpu.SemaphoreType.DMA((NBUF,)),
    ],
    compiler_params=pltpu.CompilerParams(needs_layout_passes=False, use_tc_tiling_on_sc=False),
)
def _agg_kernel(hp2d, src2d, dst2d, msg_out, srcbuf, dstbuf, rows,
                acc_sh, semg):
    c = lax.axis_index("c")
    s = lax.axis_index("s")
    w = s * NC + c
    zeros = jnp.zeros((L,), jnp.float32)

    def zero_row(r, _):
        for j in range(HID_DIM // L):
            rows[0, r, pl.ds(j * L, L)] = zeros
        return 0

    lax.fori_loop(0, CHUNK, zero_row, 0)
    for k in range(MROWS // CHUNK):
        pltpu.sync_copy(rows.at[0],
                        acc_sh.at[pl.ds(s * MROWS + k * CHUNK, CHUNK)])

    base = w * CPT
    pltpu.sync_copy(src2d.at[pl.ds(base, CPT)], srcbuf)
    pltpu.sync_copy(dst2d.at[pl.ds(base, CPT)], dstbuf)
    plsc.subcore_barrier()

    for b in range(GA):
        pltpu.async_copy(hp2d.at[srcbuf.at[b]], rows.at[b], semg.at[b])

    @pl.loop(0, CPT, step=NBUF)
    def _(j0):
        for b in range(NBUF):
            j = j0 + b
            pltpu.make_async_copy(
                hp2d.at[srcbuf.at[0]], rows.at[b], semg.at[b]).wait()

            @pl.when(j + GA < CPT)
            def _():
                pltpu.async_copy(hp2d.at[srcbuf.at[j + GA]],
                                 rows.at[(b + GA) % NBUF],
                                 semg.at[(b + GA) % NBUF])

            pltpu.sync_copy(rows.at[b], acc_sh.at[dstbuf.at[j]], add=True)

    plsc.subcore_barrier()
    pltpu.sync_copy(acc_sh.at[pl.ds(s * MROWS, MROWS)],
                    msg_out.at[c, pl.ds(s * MROWS, MROWS)])


ROW_BLK = 1000


def _mm_body(degT_ref, x_ref, w_ref, hp_ref, dinv_ref):
    deg = jnp.sum(degT_ref[...], axis=1, keepdims=True) + 1.0
    dinv = lax.rsqrt(deg)
    mm = jnp.dot(x_ref[...], w_ref[...], preferred_element_type=jnp.float32)
    hp_ref[...] = mm * dinv
    dinv_ref[...] = dinv


def _mm_call(degT, x, w):
    grid = (N_NODES // ROW_BLK,)
    return pl.pallas_call(
        _mm_body,
        grid=grid,
        in_specs=[
            pl.BlockSpec((ROW_BLK, NW), lambda i: (i, 0)),
            pl.BlockSpec((ROW_BLK, IN_DIM), lambda i: (i, 0)),
            pl.BlockSpec((IN_DIM, HID_DIM), lambda i: (0, 0)),
        ],
        out_specs=[
            pl.BlockSpec((ROW_BLK, HID_DIM), lambda i: (i, 0)),
            pl.BlockSpec((ROW_BLK, 1), lambda i: (i, 0)),
        ],
        out_shape=[
            jax.ShapeDtypeStruct((N_NODES, HID_DIM), jnp.float32),
            jax.ShapeDtypeStruct((N_NODES, 1), jnp.float32),
        ],
    )(degT, x, w)


def _head_body(dinv_ref, m_ref, hp_ref, bc_ref, w_ref, bl_ref,
               out_ref):
    dinv = dinv_ref[...]
    pre = (m_ref[0] + m_ref[1] + hp_ref[...]) * dinv + bc_ref[...]
    act = jnp.maximum(pre, 0.0)
    out_ref[...] = (
        jnp.dot(act, w_ref[...], preferred_element_type=jnp.float32)
        + bl_ref[...]
    )


def _head_call(dinv, msg, hp, bc, wpad, bpad):
    grid = (N_NODES // ROW_BLK,)
    return pl.pallas_call(
        _head_body,
        grid=grid,
        in_specs=[
            pl.BlockSpec((ROW_BLK, 1), lambda i: (i, 0)),
            pl.BlockSpec((NC, ROW_BLK, HID_DIM), lambda i: (0, i, 0)),
            pl.BlockSpec((ROW_BLK, HID_DIM), lambda i: (i, 0)),
            pl.BlockSpec((1, HID_DIM), lambda i: (0, 0)),
            pl.BlockSpec((HID_DIM, 128), lambda i: (0, 0)),
            pl.BlockSpec((1, 128), lambda i: (0, 0)),
        ],
        out_specs=pl.BlockSpec((ROW_BLK, 128), lambda i: (i, 0)),
        out_shape=jax.ShapeDtypeStruct((N_NODES, 128), jnp.float32),
    )(dinv, msg, hp, bc, wpad, bpad)


def kernel(x, edge_index, W_conv, b_conv, W_lin, b_lin):
    ei = edge_index.astype(jnp.int32)
    pad_s = jnp.full((E_PAD - N_EDGES,), N_NODES - 1, jnp.int32)
    pad_d = jnp.full((E_PAD - N_EDGES,), NPAD - 1, jnp.int32)
    src2d = jnp.concatenate([ei[0], pad_s]).reshape(E_PAD // CHUNK, CHUNK)
    dst2d = jnp.concatenate([ei[1], pad_d]).reshape(E_PAD // CHUNK, CHUNK)

    deg_parts = _deg_kernel(dst2d)
    degT = deg_parts[:, :N_NODES].T

    hp, dinv = _mm_call(degT, x, W_conv)

    msg = _agg_kernel(hp, src2d, dst2d)

    wpad = jnp.pad(W_lin, ((0, 0), (0, 128 - OUT_DIM)))
    bpad = jnp.pad(b_lin, (0, 128 - OUT_DIM))[None, :]
    bc = b_conv[None, :]
    out = _head_call(dinv, msg, hp, bc, wpad, bpad)
    return out[:, :OUT_DIM]

# --- scband reference (transcript-rebuilt; emitter-appended) ---
"""Pipeline reference for scband-qvalue-net-79242146611608 (READ-ONLY COPY).

The authoritative reference and input builder live on the scoring server;
editing this copy changes nothing except your own understanding.
"""

import jax, jax.numpy as jnp
import numpy as np

N_NODES = 10000
IN_DIM = 128
HID_DIM = 64
OUT_DIM = 2
N_EDGES = 320000


def setup_inputs(seed: int = 0) -> dict:
    key = jax.random.key(seed)
    k1, k2, k3, k4, k5, k6 = jax.random.split(key, 6)
    x = jax.random.normal(k1, (N_NODES, IN_DIM), dtype=jnp.float32)
    edge_index = jax.random.randint(k2, (2, N_EDGES), 0, N_NODES, dtype=jnp.int64)
    # GCNConv weight (glorot) and bias (zeros per PyG default)
    limit1 = float(np.sqrt(6.0 / (IN_DIM + HID_DIM)))
    W_conv = jax.random.uniform(k3, (IN_DIM, HID_DIM), dtype=jnp.float32, minval=-limit1, maxval=limit1)
    b_conv = jnp.zeros((HID_DIM,), dtype=jnp.float32)
    # nn.Linear weight/bias (kaiming-uniform-ish)
    limit2 = float(np.sqrt(1.0 / HID_DIM))
    W_lin = jax.random.uniform(k4, (HID_DIM, OUT_DIM), dtype=jnp.float32, minval=-limit2, maxval=limit2)
    b_lin = jax.random.uniform(k5, (OUT_DIM,), dtype=jnp.float32, minval=-limit2, maxval=limit2)
    return {"x": x, "edge_index": edge_index, "W_conv": W_conv, "b_conv": b_conv, "W_lin": W_lin, "b_lin": b_lin}


def _gcn_conv(x, edge_index, W, b):
    N = x.shape[0]
    loops = jnp.arange(N, dtype=edge_index.dtype)
    src = jnp.concatenate([edge_index[0], loops])
    dst = jnp.concatenate([edge_index[1], loops])
    # symmetric normalization with self-loops
    deg = jnp.zeros((N,), dtype=jnp.float32).at[dst].add(1.0)
    dinv = jnp.where(deg > 0, jax.lax.rsqrt(deg), 0.0)
    norm = dinv[src] * dinv[dst]
    h = x @ W
    msg = h[src] * norm[:, None]
    out = jnp.zeros((N, h.shape[1]), dtype=h.dtype).at[dst].add(msg)
    return out + b


def reference(x, edge_index, W_conv, b_conv, W_lin, b_lin):
    h = _gcn_conv(x, edge_index, W_conv, b_conv)
    h = jax.nn.relu(h)
    # dropout is identity in eval mode
    out = h @ W_lin + b_lin
    return out

if __name__ == "__main__":
    import jax
    _d = setup_inputs()
    print(jax.jit(kernel)(*tuple(_d.values())))

</pallas_src>

<mosaic_0001>
#map = affine_map<(d0, d1) -> (0, 0)>
module attributes {stable_mosaic.version = 14 : i64} {
  func.func @_deg_kernel(%arg0: i32, %arg1: i32, %arg2: memref<2560x128xi32, #tpu.memory_space<hbm>>, %arg3: memref<32x10240xf32, #tpu.memory_space<hbm>>, %arg4: memref<16x128xi32, #tpu.memory_space<vmem>>, %arg5: memref<10240xf32, #tpu.memory_space<vmem>>) attributes {dimension_semantics = [#tpu.dimension_semantics<core_parallel>, #tpu.dimension_semantics<subcore_parallel>], iteration_bounds = array<i64: 2, 16>, scalar_prefetch = 0 : i64, scratch_operands = 2 : i64, tpu.core_type = #tpu.core_type<sc_vector_subcore>, window_params = [{transform_indices = #map}, {transform_indices = #map}]} {
    %mul3A = arith.constant 2 : i32
    %mul3A_0 = arith.muli %arg1, %mul3A : i32
    %add3A = arith.addi %mul3A_0, %arg0 : i32
    %broadcast_in_dim3A = arith.constant 0.000000e+00 : f32
    %broadcast_in_dim3A_1 = vector.broadcast %broadcast_in_dim3A : f32 to vector<16xf32>
    %broadcast_in_dim3A_2 = arith.constant 1.000000e+00 : f32
    %broadcast_in_dim3A_3 = vector.broadcast %broadcast_in_dim3A_2 : f32 to vector<16xf32>
    %scan3A = arith.constant 0 : i32
    %scan3A_4 = arith.constant 0 : i32
    %scan3A_5 = arith.constant 640 : i32
    %scan3A_6 = arith.addi %scan3A_4, %scan3A_5 : i32
    %scan3A_7 = arith.constant 1 : i32
    %scan3A_8 = scf.for %scan3A_19 = %scan3A_4 to %scan3A_6 step %scan3A_7 iter_args(%scan3A_20 = %scan3A) -> (i32)  : i32 {
      %mul3A_21 = arith.constant 16 : i32
      %mul3A_22 = arith.muli %scan3A_19, %mul3A_21 : i32
      %swap3A = arith.index_cast %mul3A_22 : i32 to index
      %swap3A_23 = tpu.vector_load %arg5[%swap3A] {strides = array<i32>} : memref<10240xf32, #tpu.memory_space<vmem>>, vector<16xf32>,
      tpu.vector_store %arg5[%swap3A], %broadcast_in_dim3A_1 {strides = array<i32>} : memref<10240xf32, #tpu.memory_space<vmem>>, vector<16xf32>,
      %scan3A_24 = arith.constant 0 : i32
      scf.yield %scan3A_24 : i32
    }
    %scan3A_9 = arith.constant 640 : i32
    %mul3A_10 = arith.constant 80 : i32
    %mul3A_11 = arith.muli %add3A, %mul3A_10 : i32
    %scan3A_12 = arith.constant 0 : i32
    %scan3A_13 = arith.constant 0 : i32
    %scan3A_14 = arith.constant 5 : i32
    %scan3A_15 = arith.addi %scan3A_13, %scan3A_14 : i32
    %scan3A_16 = arith.constant 1 : i32
    %scan3A_17 = scf.for %scan3A_19 = %scan3A_13 to %scan3A_15 step %scan3A_16 iter_args(%scan3A_20 = %scan3A_12) -> (i32)  : i32 {
      %mul3A_21 = arith.constant 16 : i32
      %mul3A_22 = arith.muli %scan3A_19, %mul3A_21 : i32
      %add3A_23 = arith.addi %mul3A_11, %mul3A_22 : i32
      "tpu.region"() ({
        %run_scoped3A = tpu.sem_alloc : memref<!tpu.dma_semaphore, #tpu.memory_space<semaphore_mem>>
        %dma_start3A = arith.constant 0 : i32
        %dma_start3A_32 = tpu.memref_slice %arg2[%add3A_23, %dma_start3A] : memref<2560x128xi32, #tpu.memory_space<hbm>> -> memref<16x128xi32, #tpu.memory_space<hbm>>
        %dma_start3A_33 = arith.constant 0 : i32
        %dma_start3A_34 = tpu.memref_slice %arg2[%add3A_23, %dma_start3A_33] : memref<2560x128xi32, #tpu.memory_space<hbm>> -> memref<16x128xi32, #tpu.memory_space<hbm>>
        tpu.enqueue_dma source(%dma_start3A_34 : memref<16x128xi32, #tpu.memory_space<hbm>>) target(%arg4 : memref<16x128xi32, #tpu.memory_space<vmem>>) target_semaphore(%run_scoped3A : memref<!tpu.dma_semaphore, #tpu.memory_space<semaphore_mem>>)
        %dma_wait3A = arith.constant 0 : i32
        %dma_wait3A_35 = tpu.memref_slice %arg2[%add3A_23, %dma_wait3A] : memref<2560x128xi32, #tpu.memory_space<hbm>> -> memref<16x128xi32, #tpu.memory_space<hbm>>
        %dma_wait3A_36 = arith.constant 0 : i32
        %dma_wait3A_37 = tpu.memref_slice %arg2[%add3A_23, %dma_wait3A_36] : memref<2560x128xi32, #tpu.memory_space<hbm>> -> memref<16x128xi32, #tpu.memory_space<hbm>>
        tpu.wait_dma2 semaphore(%run_scoped3A : memref<!tpu.dma_semaphore, #tpu.memory_space<semaphore_mem>>) src(%dma_wait3A_37 : memref<16x128xi32, #tpu.memory_space<hbm>>) dst(%arg4 : memref<16x128xi32, #tpu.memory_space<vmem>>)
        tpu.yield
      }) : () -> ()
      %scan3A_24 = arith.constant 0 : i32
      %scan3A_25 = arith.constant 0 : i32
      %scan3A_26 = arith.constant 16 : i32
      %scan3A_27 = arith.addi %scan3A_25, %scan3A_26 : i32
      %scan3A_28 = arith.constant 1 : i32
      %scan3A_29 = scf.for %scan3A_32 = %scan3A_25 to %scan3A_27 step %scan3A_28 iter_args(%scan3A_33 = %scan3A_24) -> (i32)  : i32 {
        %get3A = arith.index_cast %scan3A_32 : i32 to index
        %get3A_34 = arith.constant 0 : index
        %get3A_35 = tpu.vector_load %arg4[%get3A, %get3A_34] {strides = array<i32>} : memref<16x128xi32, #tpu.memory_space<vmem>>, vector<16xi32>,
        tpu.vector_store_idx %arg5[%get3A_35], %broadcast_in_dim3A_3 {add = true} : memref<10240xf32, #tpu.memory_space<vmem>>[vector<16xi32>], vector<16xf32>,
        %get3A_36 = arith.index_cast %scan3A_32 : i32 to index
        %get3A_37 = arith.constant 16 : index
        %get3A_38 = tpu.vector_load %arg4[%get3A_36, %get3A_37] {strides = array<i32>} : memref<16x128xi32, #tpu.memory_space<vmem>>, vector<16xi32>,
        tpu.vector_store_idx %arg5[%get3A_38], %broadcast_in_dim3A_3 {add = true} : memref<10240xf32, #tpu.memory_space<vmem>>[vector<16xi32>], vector<16xf32>,
        %get3A_39 = arith.index_cast %scan3A_32 : i32 to index
        %get3A_40 = arith.constant 32 : index
        %get3A_41 = tpu.vector_load %arg4[%get3A_39, %get3A_40] {strides = array<i32>} : memref<16x128xi32, #tpu.memory_space<vmem>>, vector<16xi32>,
        tpu.vector_store_idx %arg5[%get3A_41], %broadcast_in_dim3A_3 {add = true} : memref<10240xf32, #tpu.memory_space<vmem>>[vector<16xi32>], vector<16xf32>,
        %get3A_42 = arith.index_cast %scan3A_32 : i32 to index
        %get3A_43 = arith.constant 48 : index
        %get3A_44 = tpu.vector_load %arg4[%get3A_42, %get3A_43] {strides = array<i32>} : memref<16x128xi32, #tpu.memory_space<vmem>>, vector<16xi32>,
        tpu.vector_store_idx %arg5[%get3A_44], %broadcast_in_dim3A_3 {add = true} : memref<10240xf32, #tpu.memory_space<vmem>>[vector<16xi32>], vector<16xf32>,
        %get3A_45 = arith.index_cast %scan3A_32 : i32 to index
        %get3A_46 = arith.constant 64 : index
        %get3A_47 = tpu.vector_load %arg4[%get3A_45, %get3A_46] {strides = array<i32>} : memref<16x128xi32, #tpu.memory_space<vmem>>, vector<16xi32>,
        tpu.vector_store_idx %arg5[%get3A_47], %broadcast_in_dim3A_3 {add = true} : memref<10240xf32, #tpu.memory_space<vmem>>[vector<16xi32>], vector<16xf32>,
        %get3A_48 = arith.index_cast %scan3A_32 : i32 to index
        %get3A_49 = arith.constant 80 : index
        %get3A_50 = tpu.vector_load %arg4[%get3A_48, %get3A_49] {strides = array<i32>} : memref<16x128xi32, #tpu.memory_space<vmem>>, vector<16xi32>,
        tpu.vector_store_idx %arg5[%get3A_50], %broadcast_in_dim3A_3 {add = true} : memref<10240xf32, #tpu.memory_space<vmem>>[vector<16xi32>], vector<16xf32>,
        %get3A_51 = arith.index_cast %scan3A_32 : i32 to index
        %get3A_52 = arith.constant 96 : index
        %get3A_53 = tpu.vector_load %arg4[%get3A_51, %get3A_52] {strides = array<i32>} : memref<16x128xi32, #tpu.memory_space<vmem>>, vector<16xi32>,
        tpu.vector_store_idx %arg5[%get3A_53], %broadcast_in_dim3A_3 {add = true} : memref<10240xf32, #tpu.memory_space<vmem>>[vector<16xi32>], vector<16xf32>,
        %get3A_54 = arith.index_cast %scan3A_32 : i32 to index
        %get3A_55 = arith.constant 112 : index
        %get3A_56 = tpu.vector_load %arg4[%get3A_54, %get3A_55] {strides = array<i32>} : memref<16x128xi32, #tpu.memory_space<vmem>>, vector<16xi32>,
        tpu.vector_store_idx %arg5[%get3A_56], %broadcast_in_dim3A_3 {add = true} : memref<10240xf32, #tpu.memory_space<vmem>>[vector<16xi32>], vector<16xf32>,
        %scan3A_57 = arith.constant 0 : i32
        scf.yield %scan3A_57 : i32
      }
      %scan3A_30 = arith.constant 16 : i32
      %scan3A_31 = arith.constant 0 : i32
      scf.yield %scan3A_31 : i32
    }
    %scan3A_18 = arith.constant 5 : i32
    "tpu.region"() ({
      %run_scoped3A = tpu.sem_alloc : memref<!tpu.dma_semaphore, #tpu.memory_space<semaphore_mem>>
      %dma_start3A = arith.constant 0 : i32
      %dma_start3A_19 = tpu.memref_slice %arg3[%add3A, %dma_start3A] : memref<32x10240xf32, #tpu.memory_space<hbm>> -> memref<1x10240xf32, #tpu.memory_space<hbm>>
      %dma_start3A_20 = tpu.memref_squeeze %dma_start3A_19 : memref<1x10240xf32, #tpu.memory_space<hbm>> -> memref<10240xf32, #tpu.memory_space<hbm>>
      %dma_start3A_21 = arith.constant 0 : i32
      %dma_start3A_22 = tpu.memref_slice %arg3[%add3A, %dma_start3A_21] : memref<32x10240xf32, #tpu.memory_space<hbm>> -> memref<1x10240xf32, #tpu.memory_space<hbm>>
      %dma_start3A_23 = tpu.memref_squeeze %dma_start3A_22 : memref<1x10240xf32, #tpu.memory_space<hbm>> -> memref<10240xf32, #tpu.memory_space<hbm>>
      tpu.enqueue_dma source(%arg5 : memref<10240xf32, #tpu.memory_space<vmem>>) target(%dma_start3A_23 : memref<10240xf32, #tpu.memory_space<hbm>>) target_semaphore(%run_scoped3A : memref<!tpu.dma_semaphore, #tpu.memory_space<semaphore_mem>>)
      %dma_wait3A = arith.constant 0 : i32
      %dma_wait3A_24 = tpu.memref_slice %arg3[%add3A, %dma_wait3A] : memref<32x10240xf32, #tpu.memory_space<hbm>> -> memref<1x10240xf32, #tpu.memory_space<hbm>>
      %dma_wait3A_25 = tpu.memref_squeeze %dma_wait3A_24 : memref<1x10240xf32, #tpu.memory_space<hbm>> -> memref<10240xf32, #tpu.memory_space<hbm>>
      %dma_wait3A_26 = arith.constant 0 : i32
      %dma_wait3A_27 = tpu.memref_slice %arg3[%add3A, %dma_wait3A_26] : memref<32x10240xf32, #tpu.memory_space<hbm>> -> memref<1x10240xf32, #tpu.memory_space<hbm>>
      %dma_wait3A_28 = tpu.memref_squeeze %dma_wait3A_27 : memref<1x10240xf32, #tpu.memory_space<hbm>> -> memref<10240xf32, #tpu.memory_space<hbm>>
      tpu.wait_dma2 semaphore(%run_scoped3A : memref<!tpu.dma_semaphore, #tpu.memory_space<semaphore_mem>>) src(%arg5 : memref<10240xf32, #tpu.memory_space<vmem>>) dst(%dma_wait3A_28 : memref<10240xf32, #tpu.memory_space<hbm>>)
      tpu.yield
    }) : () -> ()
    return
  }
}

#map = affine_map<(d0, d1) -> (0, 0)>
#map1 = affine_map<(d0, d1) -> (0, 0, 0)>
module attributes {stable_mosaic.version = 14 : i64} {
  func.func @_agg_kernel(%arg0: i32, %arg1: i32, %arg2: memref<10000x64xf32, #tpu.memory_space<hbm>>, %arg3: memref<2560x128xi32, #tpu.memory_space<hbm>>, %arg4: memref<2560x128xi32, #tpu.memory_space<hbm>>, %arg5: memref<2x10240x64xf32, #tpu.memory_space<hbm>>, %arg6: memref<80x128xi32, #tpu.memory_space<vmem>>, %arg7: memref<80x128xi32, #tpu.memory_space<vmem>>, %arg8: memref<8x128x64xf32, #tpu.memory_space<vmem>>, %arg9: memref<10240x64xf32, #tpu.memory_space<vmem_shared>>, %arg10: memref<8x!tpu.dma_semaphore, #tpu.memory_space<semaphore_mem>>) attributes {dimension_semantics = [#tpu.dimension_semantics<core_parallel>, #tpu.dimension_semantics<subcore_parallel>], iteration_bounds = array<i64: 2, 16>, scalar_prefetch = 0 : i64, scratch_operands = 5 : i64, tpu.core_type = #tpu.core_type<sc_vector_subcore>, window_params = [{transform_indices = #map}, {transform_indices = #map}, {transform_indices = #map}, {transform_indices = #map1}]} {
    %mul3A = arith.constant 2 : i32
    %mul3A_0 = arith.muli %arg1, %mul3A : i32
    %add3A = arith.addi %mul3A_0, %arg0 : i32
    %broadcast_in_dim3A = arith.constant 0.000000e+00 : f32
    %broadcast_in_dim3A_1 = vector.broadcast %broadcast_in_dim3A : f32 to vector<16xf32>
    %scan3A = arith.constant 0 : i32
    %scan3A_2 = arith.constant 0 : i32
    %scan3A_3 = arith.constant 128 : i32
    %scan3A_4 = arith.addi %scan3A_2, %scan3A_3 : i32
    %scan3A_5 = arith.constant 1 : i32
    %scan3A_6 = scf.for %scan3A_148 = %scan3A_2 to %scan3A_4 step %scan3A_5 iter_args(%scan3A_149 = %scan3A) -> (i32)  : i32 {
      %swap3A = arith.constant 0 : i32
      %swap3A_150 = arith.index_cast %swap3A : i32 to index
      %swap3A_151 = arith.index_cast %scan3A_148 : i32 to index
      %swap3A_152 = arith.constant 0 : index
      %swap3A_153 = tpu.vector_load %arg8[%swap3A_150, %swap3A_151, %swap3A_152] {strides = array<i32>} : memref<8x128x64xf32, #tpu.memory_space<vmem>>, vector<16xf32>,
      tpu.vector_store %arg8[%swap3A_150, %swap3A_151, %swap3A_152], %broadcast_in_dim3A_1 {strides = array<i32>} : memref<8x128x64xf32, #tpu.memory_space<vmem>>, vector<16xf32>,
      %swap3A_154 = arith.constant 0 : i32
      %swap3A_155 = arith.index_cast %swap3A_154 : i32 to index
      %swap3A_156 = arith.index_cast %scan3A_148 : i32 to index
      %swap3A_157 = arith.constant 16 : index
      %swap3A_158 = tpu.vector_load %arg8[%swap3A_155, %swap3A_156, %swap3A_157] {strides = array<i32>} : memref<8x128x64xf32, #tpu.memory_space<vmem>>, vector<16xf32>,
      tpu.vector_store %arg8[%swap3A_155, %swap3A_156, %swap3A_157], %broadcast_in_dim3A_1 {strides = array<i32>} : memref<8x128x64xf32, #tpu.memory_space<vmem>>, vector<16xf32>,
      %swap3A_159 = arith.constant 0 : i32
      %swap3A_160 = arith.index_cast %swap3A_159 : i32 to index
      %swap3A_161 = arith.index_cast %scan3A_148 : i32 to index
      %swap3A_162 = arith.constant 32 : index
      %swap3A_163 = tpu.vector_load %arg8[%swap3A_160, %swap3A_161, %swap3A_162] {strides = array<i32>} : memref<8x128x64xf32, #tpu.memory_space<vmem>>, vector<16xf32>,
      tpu.vector_store %arg8[%swap3A_160, %swap3A_161, %swap3A_162], %broadcast_in_dim3A_1 {strides = array<i32>} : memref<8x128x64xf32, #tpu.memory_space<vmem>>, vector<16xf32>,
      %swap3A_164 = arith.constant 0 : i32
      %swap3A_165 = arith.index_cast %swap3A_164 : i32 to index
      %swap3A_166 = arith.index_cast %scan3A_148 : i32 to index
      %swap3A_167 = arith.constant 48 : index
      %swap3A_168 = tpu.vector_load %arg8[%swap3A_165, %swap3A_166, %swap3A_167] {strides = array<i32>} : memref<8x128x64xf32, #tpu.memory_space<vmem>>, vector<16xf32>,
      tpu.vector_store %arg8[%swap3A_165, %swap3A_166, %swap3A_167], %broadcast_in_dim3A_1 {strides = array<i32>} : memref<8x128x64xf32, #tpu.memory_space<vmem>>, vector<16xf32>,
      %scan3A_169 = arith.constant 0 : i32
      scf.yield %scan3A_169 : i32
    }
    %scan3A_7 = arith.constant 128 : i32
    %mul3A_8 = arith.constant 640 : i32
    %mul3A_9 = arith.muli %arg1, %mul3A_8 : i32
    %add3A_10 = arith.constant 0 : i32
    %add3A_11 = arith.addi %mul3A_9, %add3A_10 : i32
    %run_scoped3A = arith.constant 0 : i32
    "tpu.region"() ({
      %run_scoped3A_148 = tpu.sem_alloc : memref<!tpu.dma_semaphore, #tpu.memory_space<semaphore_mem>>
      %dma_start3A_149 = arith.constant 0 : i32
      %dma_start3A_150 = arith.constant 0 : i32
      %dma_start3A_151 = tpu.memref_slice %arg8[%run_scoped3A, %dma_start3A_149, %dma_start3A_150] : memref<8x128x64xf32, #tpu.memory_space<vmem>> -> memref<1x128x64xf32, #tpu.memory_space<vmem>>
      %dma_start3A_152 = tpu.memref_squeeze %dma_start3A_151 : memref<1x128x64xf32, #tpu.memory_space<vmem>> -> memref<128x64xf32, #tpu.memory_space<vmem>>
      %dma_start3A_153 = arith.constant 0 : i32
      %dma_start3A_154 = tpu.memref_slice %arg9[%add3A_11, %dma_start3A_153] : memref<10240x64xf32, #tpu.memory_space<vmem_shared>> -> memref<128x64xf32, #tpu.memory_space<vmem_shared>>
      %dma_start3A_155 = arith.constant 0 : i32
      %dma_start3A_156 = tpu.memref_slice %arg9[%add3A_11, %dma_start3A_155] : memref<10240x64xf32, #tpu.memory_space<vmem_shared>> -> memref<128x64xf32, #tpu.memory_space<vmem_shared>>
      %dma_start3A_157 = arith.constant 0 : i32
      %dma_start3A_158 = arith.constant 0 : i32
      %dma_start3A_159 = tpu.memref_slice %arg8[%run_scoped3A, %dma_start3A_157, %dma_start3A_158] : memref<8x128x64xf32, #tpu.memory_space<vmem>> -> memref<1x128x64xf32, #tpu.memory_space<vmem>>
      %dma_start3A_160 = tpu.memref_squeeze %dma_start3A_159 : memref<1x128x64xf32, #tpu.memory_space<vmem>> -> memref<128x64xf32, #tpu.memory_space<vmem>>
      tpu.enqueue_dma source(%dma_start3A_160 : memref<128x64xf32, #tpu.memory_space<vmem>>) target(%dma_start3A_156 : memref<128x64xf32, #tpu.memory_space<vmem_shared>>) target_semaphore(%run_scoped3A_148 : memref<!tpu.dma_semaphore, #tpu.memory_space<semaphore_mem>>)
      %dma_wait3A = arith.constant 0 : i32
      %dma_wait3A_161 = arith.constant 0 : i32
      %dma_wait3A_162 = tpu.memref_slice %arg8[%run_scoped3A, %dma_wait3A, %dma_wait3A_161] : memref<8x128x64xf32, #tpu.memory_space<vmem>> -> memref<1x128x64xf32, #tpu.memory_space<vmem>>
      %dma_wait3A_163 = tpu.memref_squeeze %dma_wait3A_162 : memref<1x128x64xf32, #tpu.memory_space<vmem>> -> memref<128x64xf32, #tpu.memory_space<vmem>>
      %dma_wait3A_164 = arith.constant 0 : i32
      %dma_wait3A_165 = tpu.memref_slice %arg9[%add3A_11, %dma_wait3A_164] : memref<10240x64xf32, #tpu.memory_space<vmem_shared>> -> memref<128x64xf32, #tpu.memory_space<vmem_shared>>
      %dma_wait3A_166 = arith.constant 0 : i32
      %dma_wait3A_167 = tpu.memref_slice %arg9[%add3A_11, %dma_wait3A_166] : memref<10240x64xf32, #tpu.memory_space<vmem_shared>> -> memref<128x64xf32, #tpu.memory_space<vmem_shared>>
      %dma_wait3A_168 = arith.constant 0 : i32
      %dma_wait3A_169 = arith.constant 0 : i32
      %dma_wait3A_170 = tpu.memref_slice %arg8[%run_scoped3A, %dma_wait3A_168, %dma_wait3A_169] : memref<8x128x64xf32, #tpu.memory_space<vmem>> -> memref<1x128x64xf32, #tpu.memory_space<vmem>>
      %dma_wait3A_171 = tpu.memref_squeeze %dma_wait3A_170 : memref<1x128x64xf32, #tpu.memory_space<vmem>> -> memref<128x64xf32, #tpu.memory_space<vmem>>
      tpu.wait_dma2 semaphore(%run_scoped3A_148 : memref<!tpu.dma_semaphore, #tpu.memory_space<semaphore_mem>>) src(%dma_wait3A_171 : memref<128x64xf32, #tpu.memory_space<vmem>>) dst(%dma_wait3A_167 : memref<128x64xf32, #tpu.memory_space<vmem_shared>>)
      tpu.yield
    }) : () -> ()
    %mul3A_12 = arith.constant 640 : i32
    %mul3A_13 = arith.muli %arg1, %mul3A_12 : i32
    %add3A_14 = arith.constant 128 : i32
    %add3A_15 = arith.addi %mul3A_13, %add3A_14 : i32
    %run_scoped3A_16 = arith.constant 0 : i32
    "tpu.region"() ({
      %run_scoped3A_148 = tpu.sem_alloc : memref<!tpu.dma_semaphore, #tpu.memory_space<semaphore_mem>>
      %dma_start3A_149 = arith.constant 0 : i32
      %dma_start3A_150 = arith.constant 0 : i32
      %dma_start3A_151 = tpu.memref_slice %arg8[%run_scoped3A_16, %dma_start3A_149, %dma_start3A_150] : memref<8x128x64xf32, #tpu.memory_space<vmem>> -> memref<1x128x64xf32, #tpu.memory_space<vmem>>
      %dma_start3A_152 = tpu.memref_squeeze %dma_start3A_151 : memref<1x128x64xf32, #tpu.memory_space<vmem>> -> memref<128x64xf32, #tpu.memory_space<vmem>>
      %dma_start3A_153 = arith.constant 0 : i32
      %dma_start3A_154 = tpu.memref_slice %arg9[%add3A_15, %dma_start3A_153] : memref<10240x64xf32, #tpu.memory_space<vmem_shared>> -> memref<128x64xf32, #tpu.memory_space<vmem_shared>>
      %dma_start3A_155 = arith.constant 0 : i32
      %dma_start3A_156 = tpu.memref_slice %arg9[%add3A_15, %dma_start3A_155] : memref<10240x64xf32, #tpu.memory_space<vmem_shared>> -> memref<128x64xf32, #tpu.memory_space<vmem_shared>>
      %dma_start3A_157 = arith.constant 0 : i32
      %dma_start3A_158 = arith.constant 0 : i32
      %dma_start3A_159 = tpu.memref_slice %arg8[%run_scoped3A_16, %dma_start3A_157, %dma_start3A_158] : memref<8x128x64xf32, #tpu.memory_space<vmem>> -> memref<1x128x64xf32, #tpu.memory_space<vmem>>
      %dma_start3A_160 = tpu.memref_squeeze %dma_start3A_159 : memref<1x128x64xf32, #tpu.memory_space<vmem>> -> memref<128x64xf32, #tpu.memory_space<vmem>>
      tpu.enqueue_dma source(%dma_start3A_160 : memref<128x64xf32, #tpu.memory_space<vmem>>) target(%dma_start3A_156 : memref<128x64xf32, #tpu.memory_space<vmem_shared>>) target_semaphore(%run_scoped3A_148 : memref<!tpu.dma_semaphore, #tpu.memory_space<semaphore_mem>>)
      %dma_wait3A = arith.constant 0 : i32
      %dma_wait3A_161 = arith.constant 0 : i32
      %dma_wait3A_162 = tpu.memref_slice %arg8[%run_scoped3A_16, %dma_wait3A, %dma_wait3A_161] : memref<8x128x64xf32, #tpu.memory_space<vmem>> -> memref<1x128x64xf32, #tpu.memory_space<vmem>>
      %dma_wait3A_163 = tpu.memref_squeeze %dma_wait3A_162 : memref<1x128x64xf32, #tpu.memory_space<vmem>> -> memref<128x64xf32, #tpu.memory_space<vmem>>
      %dma_wait3A_164 = arith.constant 0 : i32
      %dma_wait3A_165 = tpu.memref_slice %arg9[%add3A_15, %dma_wait3A_164] : memref<10240x64xf32, #tpu.memory_space<vmem_shared>> -> memref<128x64xf32, #tpu.memory_space<vmem_shared>>
      %dma_wait3A_166 = arith.constant 0 : i32
      %dma_wait3A_167 = tpu.memref_slice %arg9[%add3A_15, %dma_wait3A_166] : memref<10240x64xf32, #tpu.memory_space<vmem_shared>> -> memref<128x64xf32, #tpu.memory_space<vmem_shared>>
      %dma_wait3A_168 = arith.constant 0 : i32
      %dma_wait3A_169 = arith.constant 0 : i32
      %dma_wait3A_170 = tpu.memref_slice %arg8[%run_scoped3A_16, %dma_wait3A_168, %dma_wait3A_169] : memref<8x128x64xf32, #tpu.memory_space<vmem>> -> memref<1x128x64xf32, #tpu.memory_space<vmem>>
      %dma_wait3A_171 = tpu.memref_squeeze %dma_wait3A_170 : memref<1x128x64xf32, #tpu.memory_space<vmem>> -> memref<128x64xf32, #tpu.memory_space<vmem>>
      tpu.wait_dma2 semaphore(%run_scoped3A_148 : memref<!tpu.dma_semaphore, #tpu.memory_space<semaphore_mem>>) src(%dma_wait3A_171 : memref<128x64xf32, #tpu.memory_space<vmem>>) dst(%dma_wait3A_167 : memref<128x64xf32, #tpu.memory_space<vmem_shared>>)
      tpu.yield
    }) : () -> ()
    %mul3A_17 = arith.constant 640 : i32
    %mul3A_18 = arith.muli %arg1, %mul3A_17 : i32
    %add3A_19 = arith.constant 256 : i32
    %add3A_20 = arith.addi %mul3A_18, %add3A_19 : i32
    %run_scoped3A_21 = arith.constant 0 : i32
    "tpu.region"() ({
      %run_scoped3A_148 = tpu.sem_alloc : memref<!tpu.dma_semaphore, #tpu.memory_space<semaphore_mem>>
      %dma_start3A_149 = arith.constant 0 : i32
      %dma_start3A_150 = arith.constant 0 : i32
      %dma_start3A_151 = tpu.memref_slice %arg8[%run_scoped3A_21, %dma_start3A_149, %dma_start3A_150] : memref<8x128x64xf32, #tpu.memory_space<vmem>> -> memref<1x128x64xf32, #tpu.memory_space<vmem>>
      %dma_start3A_152 = tpu.memref_squeeze %dma_start3A_151 : memref<1x128x64xf32, #tpu.memory_space<vmem>> -> memref<128x64xf32, #tpu.memory_space<vmem>>
      %dma_start3A_153 = arith.constant 0 : i32
      %dma_start3A_154 = tpu.memref_slice %arg9[%add3A_20, %dma_start3A_153] : memref<10240x64xf32, #tpu.memory_space<vmem_shared>> -> memref<128x64xf32, #tpu.memory_space<vmem_shared>>
      %dma_start3A_155 = arith.constant 0 : i32
      %dma_start3A_156 = tpu.memref_slice %arg9[%add3A_20, %dma_start3A_155] : memref<10240x64xf32, #tpu.memory_space<vmem_shared>> -> memref<128x64xf32, #tpu.memory_space<vmem_shared>>
      %dma_start3A_157 = arith.constant 0 : i32
      %dma_start3A_158 = arith.constant 0 : i32
      %dma_start3A_159 = tpu.memref_slice %arg8[%run_scoped3A_21, %dma_start3A_157, %dma_start3A_158] : memref<8x128x64xf32, #tpu.memory_space<vmem>> -> memref<1x128x64xf32, #tpu.memory_space<vmem>>
      %dma_start3A_160 = tpu.memref_squeeze %dma_start3A_159 : memref<1x128x64xf32, #tpu.memory_space<vmem>> -> memref<128x64xf32, #tpu.memory_space<vmem>>
      tpu.enqueue_dma source(%dma_start3A_160 : memref<128x64xf32, #tpu.memory_space<vmem>>) target(%dma_start3A_156 : memref<128x64xf32, #tpu.memory_space<vmem_shared>>) target_semaphore(%run_scoped3A_148 : memref<!tpu.dma_semaphore, #tpu.memory_space<semaphore_mem>>)
      %dma_wait3A = arith.constant 0 : i32
      %dma_wait3A_161 = arith.constant 0 : i32
      %dma_wait3A_162 = tpu.memref_slice %arg8[%run_scoped3A_21, %dma_wait3A, %dma_wait3A_161] : memref<8x128x64xf32, #tpu.memory_space<vmem>> -> memref<1x128x64xf32, #tpu.memory_space<vmem>>
      %dma_wait3A_163 = tpu.memref_squeeze %dma_wait3A_162 : memref<1x128x64xf32, #tpu.memory_space<vmem>> -> memref<128x64xf32, #tpu.memory_space<vmem>>
      %dma_wait3A_164 = arith.constant 0 : i32
      %dma_wait3A_165 = tpu.memref_slice %arg9[%add3A_20, %dma_wait3A_164] : memref<10240x64xf32, #tpu.memory_space<vmem_shared>> -> memref<128x64xf32, #tpu.memory_space<vmem_shared>>
      %dma_wait3A_166 = arith.constant 0 : i32
      %dma_wait3A_167 = tpu.memref_slice %arg9[%add3A_20, %dma_wait3A_166] : memref<10240x64xf32, #tpu.memory_space<vmem_shared>> -> memref<128x64xf32, #tpu.memory_space<vmem_shared>>
      %dma_wait3A_168 = arith.constant 0 : i32
      %dma_wait3A_169 = arith.constant 0 : i32
      %dma_wait3A_170 = tpu.memref_slice %arg8[%run_scoped3A_21, %dma_wait3A_168, %dma_wait3A_169] : memref<8x128x64xf32, #tpu.memory_space<vmem>> -> memref<1x128x64xf32, #tpu.memory_space<vmem>>
      %dma_wait3A_171 = tpu.memref_squeeze %dma_wait3A_170 : memref<1x128x64xf32, #tpu.memory_space<vmem>> -> memref<128x64xf32, #tpu.memory_space<vmem>>
      tpu.wait_dma2 semaphore(%run_scoped3A_148 : memref<!tpu.dma_semaphore, #tpu.memory_space<semaphore_mem>>) src(%dma_wait3A_171 : memref<128x64xf32, #tpu.memory_space<vmem>>) dst(%dma_wait3A_167 : memref<128x64xf32, #tpu.memory_space<vmem_shared>>)
      tpu.yield
    }) : () -> ()
    %mul3A_22 = arith.constant 640 : i32
    %mul3A_23 = arith.muli %arg1, %mul3A_22 : i32
    %add3A_24 = arith.constant 384 : i32
    %add3A_25 = arith.addi %mul3A_23, %add3A_24 : i32
    %run_scoped3A_26 = arith.constant 0 : i32
    "tpu.region"() ({
      %run_scoped3A_148 = tpu.sem_alloc : memref<!tpu.dma_semaphore, #tpu.memory_space<semaphore_mem>>
      %dma_start3A_149 = arith.constant 0 : i32
      %dma_start3A_150 = arith.constant 0 : i32
      %dma_start3A_151 = tpu.memref_slice %arg8[%run_scoped3A_26, %dma_start3A_149, %dma_start3A_150] : memref<8x128x64xf32, #tpu.memory_space<vmem>> -> memref<1x128x64xf32, #tpu.memory_space<vmem>>
      %dma_start3A_152 = tpu.memref_squeeze %dma_start3A_151 : memref<1x128x64xf32, #tpu.memory_space<vmem>> -> memref<128x64xf32, #tpu.memory_space<vmem>>
      %dma_start3A_153 = arith.constant 0 : i32
      %dma_start3A_154 = tpu.memref_slice %arg9[%add3A_25, %dma_start3A_153] : memref<10240x64xf32, #tpu.memory_space<vmem_shared>> -> memref<128x64xf32, #tpu.memory_space<vmem_shared>>
      %dma_start3A_155 = arith.constant 0 : i32
      %dma_start3A_156 = tpu.memref_slice %arg9[%add3A_25, %dma_start3A_155] : memref<10240x64xf32, #tpu.memory_space<vmem_shared>> -> memref<128x64xf32, #tpu.memory_space<vmem_shared>>
      %dma_start3A_157 = arith.constant 0 : i32
      %dma_start3A_158 = arith.constant 0 : i32
      %dma_start3A_159 = tpu.memref_slice %arg8[%run_scoped3A_26, %dma_start3A_157, %dma_start3A_158] : memref<8x128x64xf32, #tpu.memory_space<vmem>> -> memref<1x128x64xf32, #tpu.memory_space<vmem>>
      %dma_start3A_160 = tpu.memref_squeeze %dma_start3A_159 : memref<1x128x64xf32, #tpu.memory_space<vmem>> -> memref<128x64xf32, #tpu.memory_space<vmem>>
      tpu.enqueue_dma source(%dma_start3A_160 : memref<128x64xf32, #tpu.memory_space<vmem>>) target(%dma_start3A_156 : memref<128x64xf32, #tpu.memory_space<vmem_shared>>) target_semaphore(%run_scoped3A_148 : memref<!tpu.dma_semaphore, #tpu.memory_space<semaphore_mem>>)
      %dma_wait3A = arith.constant 0 : i32
      %dma_wait3A_161 = arith.constant 0 : i32
      %dma_wait3A_162 = tpu.memref_slice %arg8[%run_scoped3A_26, %dma_wait3A, %dma_wait3A_161] : memref<8x128x64xf32, #tpu.memory_space<vmem>> -> memref<1x128x64xf32, #tpu.memory_space<vmem>>
      %dma_wait3A_163 = tpu.memref_squeeze %dma_wait3A_162 : memref<1x128x64xf32, #tpu.memory_space<vmem>> -> memref<128x64xf32, #tpu.memory_space<vmem>>
      %dma_wait3A_164 = arith.constant 0 : i32
      %dma_wait3A_165 = tpu.memref_slice %arg9[%add3A_25, %dma_wait3A_164] : memref<10240x64xf32, #tpu.memory_space<vmem_shared>> -> memref<128x64xf32, #tpu.memory_space<vmem_shared>>
      %dma_wait3A_166 = arith.constant 0 : i32
      %dma_wait3A_167 = tpu.memref_slice %arg9[%add3A_25, %dma_wait3A_166] : memref<10240x64xf32, #tpu.memory_space<vmem_shared>> -> memref<128x64xf32, #tpu.memory_space<vmem_shared>>
      %dma_wait3A_168 = arith.constant 0 : i32
      %dma_wait3A_169 = arith.constant 0 : i32
      %dma_wait3A_170 = tpu.memref_slice %arg8[%run_scoped3A_26, %dma_wait3A_168, %dma_wait3A_169] : memref<8x128x64xf32, #tpu.memory_space<vmem>> -> memref<1x128x64xf32, #tpu.memory_space<vmem>>
      %dma_wait3A_171 = tpu.memref_squeeze %dma_wait3A_170 : memref<1x128x64xf32, #tpu.memory_space<vmem>> -> memref<128x64xf32, #tpu.memory_space<vmem>>
      tpu.wait_dma2 semaphore(%run_scoped3A_148 : memref<!tpu.dma_semaphore, #tpu.memory_space<semaphore_mem>>) src(%dma_wait3A_171 : memref<128x64xf32, #tpu.memory_space<vmem>>) dst(%dma_wait3A_167 : memref<128x64xf32, #tpu.memory_space<vmem_shared>>)
      tpu.yield
    }) : () -> ()
    %mul3A_27 = arith.constant 640 : i32
    %mul3A_28 = arith.muli %arg1, %mul3A_27 : i32
    %add3A_29 = arith.constant 512 : i32
    %add3A_30 = arith.addi %mul3A_28, %add3A_29 : i32
    %run_scoped3A_31 = arith.constant 0 : i32
    "tpu.region"() ({
      %run_scoped3A_148 = tpu.sem_alloc : memref<!tpu.dma_semaphore, #tpu.memory_space<semaphore_mem>>
      %dma_start3A_149 = arith.constant 0 : i32
      %dma_start3A_150 = arith.constant 0 : i32
      %dma_start3A_151 = tpu.memref_slice %arg8[%run_scoped3A_31, %dma_start3A_149, %dma_start3A_150] : memref<8x128x64xf32, #tpu.memory_space<vmem>> -> memref<1x128x64xf32, #tpu.memory_space<vmem>>
      %dma_start3A_152 = tpu.memref_squeeze %dma_start3A_151 : memref<1x128x64xf32, #tpu.memory_space<vmem>> -> memref<128x64xf32, #tpu.memory_space<vmem>>
      %dma_start3A_153 = arith.constant 0 : i32
      %dma_start3A_154 = tpu.memref_slice %arg9[%add3A_30, %dma_start3A_153] : memref<10240x64xf32, #tpu.memory_space<vmem_shared>> -> memref<128x64xf32, #tpu.memory_space<vmem_shared>>
      %dma_start3A_155 = arith.constant 0 : i32
      %dma_start3A_156 = tpu.memref_slice %arg9[%add3A_30, %dma_start3A_155] : memref<10240x64xf32, #tpu.memory_space<vmem_shared>> -> memref<128x64xf32, #tpu.memory_space<vmem_shared>>
      %dma_start3A_157 = arith.constant 0 : i32
      %dma_start3A_158 = arith.constant 0 : i32
      %dma_start3A_159 = tpu.memref_slice %arg8[%run_scoped3A_31, %dma_start3A_157, %dma_start3A_158] : memref<8x128x64xf32, #tpu.memory_space<vmem>> -> memref<1x128x64xf32, #tpu.memory_space<vmem>>
      %dma_start3A_160 = tpu.memref_squeeze %dma_start3A_159 : memref<1x128x64xf32, #tpu.memory_space<vmem>> -> memref<128x64xf32, #tpu.memory_space<vmem>>
      tpu.enqueue_dma source(%dma_start3A_160 : memref<128x64xf32, #tpu.memory_space<vmem>>) target(%dma_start3A_156 : memref<128x64xf32, #tpu.memory_space<vmem_shared>>) target_semaphore(%run_scoped3A_148 : memref<!tpu.dma_semaphore, #tpu.memory_space<semaphore_mem>>)
      %dma_wait3A = arith.constant 0 : i32
      %dma_wait3A_161 = arith.constant 0 : i32
      %dma_wait3A_162 = tpu.memref_slice %arg8[%run_scoped3A_31, %dma_wait3A, %dma_wait3A_161] : memref<8x128x64xf32, #tpu.memory_space<vmem>> -> memref<1x128x64xf32, #tpu.memory_space<vmem>>
      %dma_wait3A_163 = tpu.memref_squeeze %dma_wait3A_162 : memref<1x128x64xf32, #tpu.memory_space<vmem>> -> memref<128x64xf32, #tpu.memory_space<vmem>>
      %dma_wait3A_164 = arith.constant 0 : i32
      %dma_wait3A_165 = tpu.memref_slice %arg9[%add3A_30, %dma_wait3A_164] : memref<10240x64xf32, #tpu.memory_space<vmem_shared>> -> memref<128x64xf32, #tpu.memory_space<vmem_shared>>
      %dma_wait3A_166 = arith.constant 0 : i32
      %dma_wait3A_167 = tpu.memref_slice %arg9[%add3A_30, %dma_wait3A_166] : memref<10240x64xf32, #tpu.memory_space<vmem_shared>> -> memref<128x64xf32, #tpu.memory_space<vmem_shared>>
      %dma_wait3A_168 = arith.constant 0 : i32
      %dma_wait3A_169 = arith.constant 0 : i32
      %dma_wait3A_170 = tpu.memref_slice %arg8[%run_scoped3A_31, %dma_wait3A_168, %dma_wait3A_169] : memref<8x128x64xf32, #tpu.memory_space<vmem>> -> memref<1x128x64xf32, #tpu.memory_space<vmem>>
      %dma_wait3A_171 = tpu.memref_squeeze %dma_wait3A_170 : memref<1x128x64xf32, #tpu.memory_space<vmem>> -> memref<128x64xf32, #tpu.memory_space<vmem>>
      tpu.wait_dma2 semaphore(%run_scoped3A_148 : memref<!tpu.dma_semaphore, #tpu.memory_space<semaphore_mem>>) src(%dma_wait3A_171 : memref<128x64xf32, #tpu.memory_space<vmem>>) dst(%dma_wait3A_167 : memref<128x64xf32, #tpu.memory_space<vmem_shared>>)
      tpu.yield
    }) : () -> ()
    %mul3A_32 = arith.constant 80 : i32
    %mul3A_33 = arith.muli %add3A, %mul3A_32 : i32
    "tpu.region"() ({
      %run_scoped3A_148 = tpu.sem_alloc : memref<!tpu.dma_semaphore, #tpu.memory_space<semaphore_mem>>
      %dma_start3A_149 = arith.constant 0 : i32
      %dma_start3A_150 = tpu.memref_slice %arg3[%mul3A_33, %dma_start3A_149] : memref<2560x128xi32, #tpu.memory_space<hbm>> -> memref<80x128xi32, #tpu.memory_space<hbm>>
      %dma_start3A_151 = arith.constant 0 : i32
      %dma_start3A_152 = tpu.memref_slice %arg3[%mul3A_33, %dma_start3A_151] : memref<2560x128xi32, #tpu.memory_space<hbm>> -> memref<80x128xi32, #tpu.memory_space<hbm>>
      tpu.enqueue_dma source(%dma_start3A_152 : memref<80x128xi32, #tpu.memory_space<hbm>>) target(%arg6 : memref<80x128xi32, #tpu.memory_space<vmem>>) target_semaphore(%run_scoped3A_148 : memref<!tpu.dma_semaphore, #tpu.memory_space<semaphore_mem>>)
      %dma_wait3A = arith.constant 0 : i32
      %dma_wait3A_153 = tpu.memref_slice %arg3[%mul3A_33, %dma_wait3A] : memref<2560x128xi32, #tpu.memory_space<hbm>> -> memref<80x128xi32, #tpu.memory_space<hbm>>
      %dma_wait3A_154 = arith.constant 0 : i32
      %dma_wait3A_155 = tpu.memref_slice %arg3[%mul3A_33, %dma_wait3A_154] : memref<2560x128xi32, #tpu.memory_space<hbm>> -> memref<80x128xi32, #tpu.memory_space<hbm>>
      tpu.wait_dma2 semaphore(%run_scoped3A_148 : memref<!tpu.dma_semaphore, #tpu.memory_space<semaphore_mem>>) src(%dma_wait3A_155 : memref<80x128xi32, #tpu.memory_space<hbm>>) dst(%arg6 : memref<80x128xi32, #tpu.memory_space<vmem>>)
      tpu.yield
    }) : () -> ()
    "tpu.region"() ({
      %run_scoped3A_148 = tpu.sem_alloc : memref<!tpu.dma_semaphore, #tpu.memory_space<semaphore_mem>>
      %dma_start3A_149 = arith.constant 0 : i32
      %dma_start3A_150 = tpu.memref_slice %arg4[%mul3A_33, %dma_start3A_149] : memref<2560x128xi32, #tpu.memory_space<hbm>> -> memref<80x128xi32, #tpu.memory_space<hbm>>
      %dma_start3A_151 = arith.constant 0 : i32
      %dma_start3A_152 = tpu.memref_slice %arg4[%mul3A_33, %dma_start3A_151] : memref<2560x128xi32, #tpu.memory_space<hbm>> -> memref<80x128xi32, #tpu.memory_space<hbm>>
      tpu.enqueue_dma source(%dma_start3A_152 : memref<80x128xi32, #tpu.memory_space<hbm>>) target(%arg7 : memref<80x128xi32, #tpu.memory_space<vmem>>) target_semaphore(%run_scoped3A_148 : memref<!tpu.dma_semaphore, #tpu.memory_space<semaphore_mem>>)
      %dma_wait3A = arith.constant 0 : i32
      %dma_wait3A_153 = tpu.memref_slice %arg4[%mul3A_33, %dma_wait3A] : memref<2560x128xi32, #tpu.memory_space<hbm>> -> memref<80x128xi32, #tpu.memory_space<hbm>>
      %dma_wait3A_154 = arith.constant 0 : i32
      %dma_wait3A_155 = tpu.memref_slice %arg4[%mul3A_33, %dma_wait3A_154] : memref<2560x128xi32, #tpu.memory_space<hbm>> -> memref<80x128xi32, #tpu.memory_space<hbm>>
      tpu.wait_dma2 semaphore(%run_scoped3A_148 : memref<!tpu.dma_semaphore, #tpu.memory_space<semaphore_mem>>) src(%dma_wait3A_155 : memref<80x128xi32, #tpu.memory_space<hbm>>) dst(%arg7 : memref<80x128xi32, #tpu.memory_space<vmem>>)
      tpu.yield
    }) : () -> ()
    %barrier3A = arith.constant 0 : index
    tpu.barrier barrier_id(%barrier3A)
    %dma_start3A = arith.constant 0 : i32
    %dma_start3A_34 = arith.constant 0 : i32
    %dma_start3A_35 = arith.constant 0 : i32
    %dma_start3A_36 = arith.constant 0 : i32
    %dma_start3A_37 = arith.constant 0 : i32
    %dma_start3A_38 = tpu.memref_slice %arg8[%dma_start3A_34, %dma_start3A_36, %dma_start3A_37] : memref<8x128x64xf32, #tpu.memory_space<vmem>> -> memref<1x128x64xf32, #tpu.memory_space<vmem>>
    %dma_start3A_39 = tpu.memref_squeeze %dma_start3A_38 : memref<1x128x64xf32, #tpu.memory_space<vmem>> -> memref<128x64xf32, #tpu.memory_space<vmem>>
    %dma_start3A_40 = arith.constant 0 : i32
    %dma_start3A_41 = tpu.memref_slice %arg6[%dma_start3A, %dma_start3A_40] : memref<80x128xi32, #tpu.memory_space<vmem>> -> memref<1x128xi32, #tpu.memory_space<vmem>>
    %dma_start3A_42 = tpu.memref_squeeze %dma_start3A_41 : memref<1x128xi32, #tpu.memory_space<vmem>> -> memref<128xi32, #tpu.memory_space<vmem>>
    %dma_start3A_43 = arith.constant 0 : i32
    %dma_start3A_44 = arith.constant 0 : i32
    %dma_start3A_45 = tpu.memref_slice %arg2[%dma_start3A_43, %dma_start3A_44] : memref<10000x64xf32, #tpu.memory_space<hbm>> -> memref<10000x64xf32, #tpu.memory_space<hbm>>
    %dma_start3A_46 = tpu.memref_slice %arg10[%dma_start3A_35] : memref<8x!tpu.dma_semaphore, #tpu.memory_space<semaphore_mem>> -> memref<1x!tpu.dma_semaphore, #tpu.memory_space<semaphore_mem>>
    %dma_start3A_47 = tpu.memref_squeeze %dma_start3A_46 : memref<1x!tpu.dma_semaphore, #tpu.memory_space<semaphore_mem>> -> memref<!tpu.dma_semaphore, #tpu.memory_space<semaphore_mem>>
    tpu.enqueue_indirect_dma source(%dma_start3A_45 : memref<10000x64xf32, #tpu.memory_space<hbm>>) target(%dma_start3A_39 : memref<128x64xf32, #tpu.memory_space<vmem>>) offsets(%dma_start3A_42 : memref<128xi32, #tpu.memory_space<vmem>>) semaphore(%dma_start3A_47 : memref<!tpu.dma_semaphore, #tpu.memory_space<semaphore_mem>>)
    %dma_start3A_48 = arith.constant 1 : i32
    %dma_start3A_49 = arith.constant 1 : i32
    %dma_start3A_50 = arith.constant 1 : i32
    %dma_start3A_51 = arith.constant 0 : i32
    %dma_start3A_52 = arith.constant 0 : i32
    %dma_start3A_53 = tpu.memref_slice %arg8[%dma_start3A_49, %dma_start3A_51, %dma_start3A_52] : memref<8x128x64xf32, #tpu.memory_space<vmem>> -> memref<1x128x64xf32, #tpu.memory_space<vmem>>
    %dma_start3A_54 = tpu.memref_squeeze %dma_start3A_53 : memref<1x128x64xf32, #tpu.memory_space<vmem>> -> memref<128x64xf32, #tpu.memory_space<vmem>>
    %dma_start3A_55 = arith.constant 0 : i32
    %dma_start3A_56 = tpu.memref_slice %arg6[%dma_start3A_48, %dma_start3A_55] : memref<80x128xi32, #tpu.memory_space<vmem>> -> memref<1x128xi32, #tpu.memory_space<vmem>>
    %dma_start3A_57 = tpu.memref_squeeze %dma_start3A_56 : memref<1x128xi32, #tpu.memory_space<vmem>> -> memref<128xi32, #tpu.memory_space<vmem>>
    %dma_start3A_58 = arith.constant 0 : i32
    %dma_start3A_59 = arith.constant 0 : i32
    %dma_start3A_60 = tpu.memref_slice %arg2[%dma_start3A_58, %dma_start3A_59] : memref<10000x64xf32, #tpu.memory_space<hbm>> -> memref<10000x64xf32, #tpu.memory_space<hbm>>
    %dma_start3A_61 = tpu.memref_slice %arg10[%dma_start3A_50] : memref<8x!tpu.dma_semaphore, #tpu.memory_space<semaphore_mem>> -> memref<1x!tpu.dma_semaphore, #tpu.memory_space<semaphore_mem>>
    %dma_start3A_62 = tpu.memref_squeeze %dma_start3A_61 : memref<1x!tpu.dma_semaphore, #tpu.memory_space<semaphore_mem>> -> memref<!tpu.dma_semaphore, #tpu.memory_space<semaphore_mem>>
    tpu.enqueue_indirect_dma source(%dma_start3A_60 : memref<10000x64xf32, #tpu.memory_space<hbm>>) target(%dma_start3A_54 : memref<128x64xf32, #tpu.memory_space<vmem>>) offsets(%dma_start3A_57 : memref<128xi32, #tpu.memory_space<vmem>>) semaphore(%dma_start3A_62 : memref<!tpu.dma_semaphore, #tpu.memory_space<semaphore_mem>>)
    %dma_start3A_63 = arith.constant 2 : i32
    %dma_start3A_64 = arith.constant 2 : i32
    %dma_start3A_65 = arith.constant 2 : i32
    %dma_start3A_66 = arith.constant 0 : i32
    %dma_start3A_67 = arith.constant 0 : i32
    %dma_start3A_68 = tpu.memref_slice %arg8[%dma_start3A_64, %dma_start3A_66, %dma_start3A_67] : memref<8x128x64xf32, #tpu.memory_space<vmem>> -> memref<1x128x64xf32, #tpu.memory_space<vmem>>
    %dma_start3A_69 = tpu.memref_squeeze %dma_start3A_68 : memref<1x128x64xf32, #tpu.memory_space<vmem>> -> memref<128x64xf32, #tpu.memory_space<vmem>>
    %dma_start3A_70 = arith.constant 0 : i32
    %dma_start3A_71 = tpu.memref_slice %arg6[%dma_start3A_63, %dma_start3A_70] : memref<80x128xi32, #tpu.memory_space<vmem>> -> memref<1x128xi32, #tpu.memory_space<vmem>>
    %dma_start3A_72 = tpu.memref_squeeze %dma_start3A_71 : memref<1x128xi32, #tpu.memory_space<vmem>> -> memref<128xi32, #tpu.memory_space<vmem>>
    %dma_start3A_73 = arith.constant 0 : i32
    %dma_start3A_74 = arith.constant 0 : i32
    %dma_start3A_75 = tpu.memref_slice %arg2[%dma_start3A_73, %dma_start3A_74] : memref<10000x64xf32, #tpu.memory_space<hbm>> -> memref<10000x64xf32, #tpu.memory_space<hbm>>
    %dma_start3A_76 = tpu.memref_slice %arg10[%dma_start3A_65] : memref<8x!tpu.dma_semaphore, #tpu.memory_space<semaphore_mem>> -> memref<1x!tpu.dma_semaphore, #tpu.memory_space<semaphore_mem>>
    %dma_start3A_77 = tpu.memref_squeeze %dma_start3A_76 : memref<1x!tpu.dma_semaphore, #tpu.memory_space<semaphore_mem>> -> memref<!tpu.dma_semaphore, #tpu.memory_space<semaphore_mem>>
    tpu.enqueue_indirect_dma source(%dma_start3A_75 : memref<10000x64xf32, #tpu.memory_space<hbm>>) target(%dma_start3A_69 : memref<128x64xf32, #tpu.memory_space<vmem>>) offsets(%dma_start3A_72 : memref<128xi32, #tpu.memory_space<vmem>>) semaphore(%dma_start3A_77 : memref<!tpu.dma_semaphore, #tpu.memory_space<semaphore_mem>>)
    %dma_start3A_78 = arith.constant 3 : i32
    %dma_start3A_79 = arith.constant 3 : i32
    %dma_start3A_80 = arith.constant 3 : i32
    %dma_start3A_81 = arith.constant 0 : i32
    %dma_start3A_82 = arith.constant 0 : i32
    %dma_start3A_83 = tpu.memref_slice %arg8[%dma_start3A_79, %dma_start3A_81, %dma_start3A_82] : memref<8x128x64xf32, #tpu.memory_space<vmem>> -> memref<1x128x64xf32, #tpu.memory_space<vmem>>
    %dma_start3A_84 = tpu.memref_squeeze %dma_start3A_83 : memref<1x128x64xf32, #tpu.memory_space<vmem>> -> memref<128x64xf32, #tpu.memory_space<vmem>>
    %dma_start3A_85 = arith.constant 0 : i32
    %dma_start3A_86 = tpu.memref_slice %arg6[%dma_start3A_78, %dma_start3A_85] : memref<80x128xi32, #tpu.memory_space<vmem>> -> memref<1x128xi32, #tpu.memory_space<vmem>>
    %dma_start3A_87 = tpu.memref_squeeze %dma_start3A_86 : memref<1x128xi32, #tpu.memory_space<vmem>> -> memref<128xi32, #tpu.memory_space<vmem>>
    %dma_start3A_88 = arith.constant 0 : i32
    %dma_start3A_89 = arith.constant 0 : i32
    %dma_start3A_90 = tpu.memref_slice %arg2[%dma_start3A_88, %dma_start3A_89] : memref<10000x64xf32, #tpu.memory_space<hbm>> -> memref<10000x64xf32, #tpu.memory_space<hbm>>
    %dma_start3A_91 = tpu.memref_slice %arg10[%dma_start3A_80] : memref<8x!tpu.dma_semaphore, #tpu.memory_space<semaphore_mem>> -> memref<1x!tpu.dma_semaphore, #tpu.memory_space<semaphore_mem>>
    %dma_start3A_92 = tpu.memref_squeeze %dma_start3A_91 : memref<1x!tpu.dma_semaphore, #tpu.memory_space<semaphore_mem>> -> memref<!tpu.dma_semaphore, #tpu.memory_space<semaphore_mem>>
    tpu.enqueue_indirect_dma source(%dma_start3A_90 : memref<10000x64xf32, #tpu.memory_space<hbm>>) target(%dma_start3A_84 : memref<128x64xf32, #tpu.memory_space<vmem>>) offsets(%dma_start3A_87 : memref<128xi32, #tpu.memory_space<vmem>>) semaphore(%dma_start3A_92 : memref<!tpu.dma_semaphore, #tpu.memory_space<semaphore_mem>>)
    %dma_start3A_93 = arith.constant 4 : i32
    %dma_start3A_94 = arith.constant 4 : i32
    %dma_start3A_95 = arith.constant 4 : i32
    %dma_start3A_96 = arith.constant 0 : i32
    %dma_start3A_97 = arith.constant 0 : i32
    %dma_start3A_98 = tpu.memref_slice %arg8[%dma_start3A_94, %dma_start3A_96, %dma_start3A_97] : memref<8x128x64xf32, #tpu.memory_space<vmem>> -> memref<1x128x64xf32, #tpu.memory_space<vmem>>
    %dma_start3A_99 = tpu.memref_squeeze %dma_start3A_98 : memref<1x128x64xf32, #tpu.memory_space<vmem>> -> memref<128x64xf32, #tpu.memory_space<vmem>>
    %dma_start3A_100 = arith.constant 0 : i32
    %dma_start3A_101 = tpu.memref_slice %arg6[%dma_start3A_93, %dma_start3A_100] : memref<80x128xi32, #tpu.memory_space<vmem>> -> memref<1x128xi32, #tpu.memory_space<vmem>>
    %dma_start3A_102 = tpu.memref_squeeze %dma_start3A_101 : memref<1x128xi32, #tpu.memory_space<vmem>> -> memref<128xi32, #tpu.memory_space<vmem>>
    %dma_start3A_103 = arith.constant 0 : i32
    %dma_start3A_104 = arith.constant 0 : i32
    %dma_start3A_105 = tpu.memref_slice %arg2[%dma_start3A_103, %dma_start3A_104] : memref<10000x64xf32, #tpu.memory_space<hbm>> -> memref<10000x64xf32, #tpu.memory_space<hbm>>
    %dma_start3A_106 = tpu.memref_slice %arg10[%dma_start3A_95] : memref<8x!tpu.dma_semaphore, #tpu.memory_space<semaphore_mem>> -> memref<1x!tpu.dma_semaphore, #tpu.memory_space<semaphore_mem>>
    %dma_start3A_107 = tpu.memref_squeeze %dma_start3A_106 : memref<1x!tpu.dma_semaphore, #tpu.memory_space<semaphore_mem>> -> memref<!tpu.dma_semaphore, #tpu.memory_space<semaphore_mem>>
    tpu.enqueue_indirect_dma source(%dma_start3A_105 : memref<10000x64xf32, #tpu.memory_space<hbm>>) target(%dma_start3A_99 : memref<128x64xf32, #tpu.memory_space<vmem>>) offsets(%dma_start3A_102 : memref<128xi32, #tpu.memory_space<vmem>>) semaphore(%dma_start3A_107 : memref<!tpu.dma_semaphore, #tpu.memory_space<semaphore_mem>>)
    %dma_start3A_108 = arith.constant 5 : i32
    %dma_start3A_109 = arith.constant 5 : i32
    %dma_start3A_110 = arith.constant 5 : i32
    %dma_start3A_111 = arith.constant 0 : i32
    %dma_start3A_112 = arith.constant 0 : i32
    %dma_start3A_113 = tpu.memref_slice %arg8[%dma_start3A_109, %dma_start3A_111, %dma_start3A_112] : memref<8x128x64xf32, #tpu.memory_space<vmem>> -> memref<1x128x64xf32, #tpu.memory_space<vmem>>
    %dma_start3A_114 = tpu.memref_squeeze %dma_start3A_113 : memref<1x128x64xf32, #tpu.memory_space<vmem>> -> memref<128x64xf32, #tpu.memory_space<vmem>>
    %dma_start3A_115 = arith.constant 0 : i32
    %dma_start3A_116 = tpu.memref_slice %arg6[%dma_start3A_108, %dma_start3A_115] : memref<80x128xi32, #tpu.memory_space<vmem>> -> memref<1x128xi32, #tpu.memory_space<vmem>>
    %dma_start3A_117 = tpu.memref_squeeze %dma_start3A_116 : memref<1x128xi32, #tpu.memory_space<vmem>> -> memref<128xi32, #tpu.memory_space<vmem>>
    %dma_start3A_118 = arith.constant 0 : i32
    %dma_start3A_119 = arith.constant 0 : i32
    %dma_start3A_120 = tpu.memref_slice %arg2[%dma_start3A_118, %dma_start3A_119] : memref<10000x64xf32, #tpu.memory_space<hbm>> -> memref<10000x64xf32, #tpu.memory_space<hbm>>
    %dma_start3A_121 = tpu.memref_slice %arg10[%dma_start3A_110] : memref<8x!tpu.dma_semaphore, #tpu.memory_space<semaphore_mem>> -> memref<1x!tpu.dma_semaphore, #tpu.memory_space<semaphore_mem>>
    %dma_start3A_122 = tpu.memref_squeeze %dma_start3A_121 : memref<1x!tpu.dma_semaphore, #tpu.memory_space<semaphore_mem>> -> memref<!tpu.dma_semaphore, #tpu.memory_space<semaphore_mem>>
    tpu.enqueue_indirect_dma source(%dma_start3A_120 : memref<10000x64xf32, #tpu.memory_space<hbm>>) target(%dma_start3A_114 : memref<128x64xf32, #tpu.memory_space<vmem>>) offsets(%dma_start3A_117 : memref<128xi32, #tpu.memory_space<vmem>>) semaphore(%dma_start3A_122 : memref<!tpu.dma_semaphore, #tpu.memory_space<semaphore_mem>>)
    %dma_start3A_123 = arith.constant 6 : i32
    %dma_start3A_124 = arith.constant 6 : i32
    %dma_start3A_125 = arith.constant 6 : i32
    %dma_start3A_126 = arith.constant 0 : i32
    %dma_start3A_127 = arith.constant 0 : i32
    %dma_start3A_128 = tpu.memref_slice %arg8[%dma_start3A_124, %dma_start3A_126, %dma_start3A_127] : memref<8x128x64xf32, #tpu.memory_space<vmem>> -> memref<1x128x64xf32, #tpu.memory_space<vmem>>
    %dma_start3A_129 = tpu.memref_squeeze %dma_start3A_128 : memref<1x128x64xf32, #tpu.memory_space<vmem>> -> memref<128x64xf32, #tpu.memory_space<vmem>>
    %dma_start3A_130 = arith.constant 0 : i32
    %dma_start3A_131 = tpu.memref_slice %arg6[%dma_start3A_123, %dma_start3A_130] : memref<80x128xi32, #tpu.memory_space<vmem>> -> memref<1x128xi32, #tpu.memory_space<vmem>>
    %dma_start3A_132 = tpu.memref_squeeze %dma_start3A_131 : memref<1x128xi32, #tpu.memory_space<vmem>> -> memref<128xi32, #tpu.memory_space<vmem>>
    %dma_start3A_133 = arith.constant 0 : i32
    %dma_start3A_134 = arith.constant 0 : i32
    %dma_start3A_135 = tpu.memref_slice %arg2[%dma_start3A_133, %dma_start3A_134] : memref<10000x64xf32, #tpu.memory_space<hbm>> -> memref<10000x64xf32, #tpu.memory_space<hbm>>
    %dma_start3A_136 = tpu.memref_slice %arg10[%dma_start3A_125] : memref<8x!tpu.dma_semaphore, #tpu.memory_space<semaphore_mem>> -> memref<1x!tpu.dma_semaphore, #tpu.memory_space<semaphore_mem>>
    %dma_start3A_137 = tpu.memref_squeeze %dma_start3A_136 : memref<1x!tpu.dma_semaphore, #tpu.memory_space<semaphore_mem>> -> memref<!tpu.dma_semaphore, #tpu.memory_space<semaphore_mem>>
    tpu.enqueue_indirect_dma source(%dma_start3A_135 : memref<10000x64xf32, #tpu.memory_space<hbm>>) target(%dma_start3A_129 : memref<128x64xf32, #tpu.memory_space<vmem>>) offsets(%dma_start3A_132 : memref<128xi32, #tpu.memory_space<vmem>>) semaphore(%dma_start3A_137 : memref<!tpu.dma_semaphore, #tpu.memory_space<semaphore_mem>>)
    %scan3A_138 = arith.constant 0 : i32
    %scan3A_139 = arith.constant 10 : i32
    %scan3A_140 = arith.addi %scan3A_138, %scan3A_139 : i32
    %scan3A_141 = arith.constant 1 : i32
    scf.for %scan3A_148 = %scan3A_138 to %scan3A_140 step %scan3A_141  : i32 {
      %mul3A_149 = arith.constant 8 : i32
      %mul3A_150 = arith.muli %scan3A_148, %mul3A_149 : i32
      %add3A_151 = arith.constant 0 : i32
      %add3A_152 = arith.addi %add3A_151, %mul3A_150 : i32
      %add3A_153 = arith.constant 0 : i32
      %add3A_154 = arith.addi %add3A_152, %add3A_153 : i32
      %dma_wait3A = arith.constant 0 : i32
      %dma_wait3A_155 = arith.constant 0 : i32
      %dma_wait3A_156 = arith.constant 0 : i32
      %dma_wait3A_157 = arith.constant 0 : i32
      %dma_wait3A_158 = arith.constant 0 : i32
      %dma_wait3A_159 = tpu.memref_slice %arg8[%dma_wait3A_155, %dma_wait3A_157, %dma_wait3A_158] : memref<8x128x64xf32, #tpu.memory_space<vmem>> -> memref<1x128x64xf32, #tpu.memory_space<vmem>>
      %dma_wait3A_160 = tpu.memref_squeeze %dma_wait3A_159 : memref<1x128x64xf32, #tpu.memory_space<vmem>> -> memref<128x64xf32, #tpu.memory_space<vmem>>
      %dma_wait3A_161 = arith.constant 0 : i32
      %dma_wait3A_162 = tpu.memref_slice %arg6[%dma_wait3A, %dma_wait3A_161] : memref<80x128xi32, #tpu.memory_space<vmem>> -> memref<1x128xi32, #tpu.memory_space<vmem>>
      %dma_wait3A_163 = tpu.memref_squeeze %dma_wait3A_162 : memref<1x128xi32, #tpu.memory_space<vmem>> -> memref<128xi32, #tpu.memory_space<vmem>>
      %dma_wait3A_164 = arith.constant 0 : i32
      %dma_wait3A_165 = arith.constant 0 : i32
      %dma_wait3A_166 = tpu.memref_slice %arg2[%dma_wait3A_164, %dma_wait3A_165] : memref<10000x64xf32, #tpu.memory_space<hbm>> -> memref<10000x64xf32, #tpu.memory_space<hbm>>
      %dma_wait3A_167 = tpu.memref_slice %arg10[%dma_wait3A_156] : memref<8x!tpu.dma_semaphore, #tpu.memory_space<semaphore_mem>> -> memref<1x!tpu.dma_semaphore, #tpu.memory_space<semaphore_mem>>
      %dma_wait3A_168 = tpu.memref_squeeze %dma_wait3A_167 : memref<1x!tpu.dma_semaphore, #tpu.memory_space<semaphore_mem>> -> memref<!tpu.dma_semaphore, #tpu.memory_space<semaphore_mem>>
      tpu.wait_indirect_dma semaphore(%dma_wait3A_168 : memref<!tpu.dma_semaphore, #tpu.memory_space<semaphore_mem>>) src(%dma_wait3A_166 : memref<10000x64xf32, #tpu.memory_space<hbm>>) dst(%dma_wait3A_160 : memref<128x64xf32, #tpu.memory_space<vmem>>)
      %add3A_169 = arith.constant 7 : i32
      %add3A_170 = arith.addi %add3A_154, %add3A_169 : i32
      %lt3A = arith.constant 80 : i32
      %lt3A_171 = arith.cmpi slt, %add3A_170, %lt3A : i32
      %convert_element_type3A = arith.extui %lt3A_171 : i1 to i32
      %cond3A = arith.constant 0 : i32
      %cond3A_172 = arith.cmpi ne, %convert_element_type3A, %cond3A : i32
      scf.if %cond3A_172 {
        %add3A_349 = arith.constant 7 : i32
        %add3A_350 = arith.addi %add3A_154, %add3A_349 : i32
        %dma_start3A_351 = arith.constant 7 : i32
        %dma_start3A_352 = arith.constant 7 : i32
        %dma_start3A_353 = arith.constant 0 : i32
        %dma_start3A_354 = arith.constant 0 : i32
        %dma_start3A_355 = tpu.memref_slice %arg8[%dma_start3A_351, %dma_start3A_353, %dma_start3A_354] : memref<8x128x64xf32, #tpu.memory_space<vmem>> -> memref<1x128x64xf32, #tpu.memory_space<vmem>>
        %dma_start3A_356 = tpu.memref_squeeze %dma_start3A_355 : memref<1x128x64xf32, #tpu.memory_space<vmem>> -> memref<128x64xf32, #tpu.memory_space<vmem>>
        %dma_start3A_357 = arith.constant 0 : i32
        %dma_start3A_358 = tpu.memref_slice %arg6[%add3A_350, %dma_start3A_357] : memref<80x128xi32, #tpu.memory_space<vmem>> -> memref<1x128xi32, #tpu.memory_space<vmem>>
        %dma_start3A_359 = tpu.memref_squeeze %dma_start3A_358 : memref<1x128xi32, #tpu.memory_space<vmem>> -> memref<128xi32, #tpu.memory_space<vmem>>
        %dma_start3A_360 = arith.constant 0 : i32
        %dma_start3A_361 = arith.constant 0 : i32
        %dma_start3A_362 = tpu.memref_slice %arg2[%dma_start3A_360, %dma_start3A_361] : memref<10000x64xf32, #tpu.memory_space<hbm>> -> memref<10000x64xf32, #tpu.memory_space<hbm>>
        %dma_start3A_363 = tpu.memref_slice %arg10[%dma_start3A_352] : memref<8x!tpu.dma_semaphore, #tpu.memory_space<semaphore_mem>> -> memref<1x!tpu.dma_semaphore, #tpu.memory_space<semaphore_mem>>
        %dma_start3A_364 = tpu.memref_squeeze %dma_start3A_363 : memref<1x!tpu.dma_semaphore, #tpu.memory_space<semaphore_mem>> -> memref<!tpu.dma_semaphore, #tpu.memory_space<semaphore_mem>>
        tpu.enqueue_indirect_dma source(%dma_start3A_362 : memref<10000x64xf32, #tpu.memory_space<hbm>>) target(%dma_start3A_356 : memref<128x64xf32, #tpu.memory_space<vmem>>) offsets(%dma_start3A_359 : memref<128xi32, #tpu.memory_space<vmem>>) semaphore(%dma_start3A_364 : memref<!tpu.dma_semaphore, #tpu.memory_space<semaphore_mem>>)
      } else {
      }
      %run_scoped3A_173 = arith.constant 0 : i32
      "tpu.region"() ({
        %run_scoped3A_349 = tpu.sem_alloc : memref<!tpu.dma_semaphore, #tpu.memory_space<semaphore_mem>>
        %dma_start3A_350 = arith.constant 0 : i32
        %dma_start3A_351 = arith.constant 0 : i32
        %dma_start3A_352 = tpu.memref_slice %arg8[%run_scoped3A_173, %dma_start3A_350, %dma_start3A_351] : memref<8x128x64xf32, #tpu.memory_space<vmem>> -> memref<1x128x64xf32, #tpu.memory_space<vmem>>
        %dma_start3A_353 = tpu.memref_squeeze %dma_start3A_352 : memref<1x128x64xf32, #tpu.memory_space<vmem>> -> memref<128x64xf32, #tpu.memory_space<vmem>>
        %dma_start3A_354 = arith.constant 0 : i32
        %dma_start3A_355 = tpu.memref_slice %arg7[%add3A_154, %dma_start3A_354] : memref<80x128xi32, #tpu.memory_space<vmem>> -> memref<1x128xi32, #tpu.memory_space<vmem>>
        %dma_start3A_356 = tpu.memref_squeeze %dma_start3A_355 : memref<1x128xi32, #tpu.memory_space<vmem>> -> memref<128xi32, #tpu.memory_space<vmem>>
        %dma_start3A_357 = arith.constant 0 : i32
        %dma_start3A_358 = arith.constant 0 : i32
        %dma_start3A_359 = tpu.memref_slice %arg9[%dma_start3A_357, %dma_start3A_358] : memref<10240x64xf32, #tpu.memory_space<vmem_shared>> -> memref<10240x64xf32, #tpu.memory_space<vmem_shared>>
        tpu.enqueue_indirect_dma source(%dma_start3A_353 : memref<128x64xf32, #tpu.memory_space<vmem>>) target(%dma_start3A_359 : memref<10240x64xf32, #tpu.memory_space<vmem_shared>>) offsets(%dma_start3A_356 : memref<128xi32, #tpu.memory_space<vmem>>) semaphore(%run_scoped3A_349 : memref<!tpu.dma_semaphore, #tpu.memory_space<semaphore_mem>>) {add = true}
        %dma_wait3A_360 = arith.constant 0 : i32
        %dma_wait3A_361 = arith.constant 0 : i32
        %dma_wait3A_362 = tpu.memref_slice %arg8[%run_scoped3A_173, %dma_wait3A_360, %dma_wait3A_361] : memref<8x128x64xf32, #tpu.memory_space<vmem>> -> memref<1x128x64xf32, #tpu.memory_space<vmem>>
        %dma_wait3A_363 = tpu.memref_squeeze %dma_wait3A_362 : memref<1x128x64xf32, #tpu.memory_space<vmem>> -> memref<128x64xf32, #tpu.memory_space<vmem>>
        %dma_wait3A_364 = arith.constant 0 : i32
        %dma_wait3A_365 = tpu.memref_slice %arg7[%add3A_154, %dma_wait3A_364] : memref<80x128xi32, #tpu.memory_space<vmem>> -> memref<1x128xi32, #tpu.memory_space<vmem>>
        %dma_wait3A_366 = tpu.memref_squeeze %dma_wait3A_365 : memref<1x128xi32, #tpu.memory_space<vmem>> -> memref<128xi32, #tpu.memory_space<vmem>>
        %dma_wait3A_367 = arith.constant 0 : i32
        %dma_wait3A_368 = arith.constant 0 : i32
        %dma_wait3A_369 = tpu.memref_slice %arg9[%dma_wait3A_367, %dma_wait3A_368] : memref<10240x64xf32, #tpu.memory_space<vmem_shared>> -> memref<10240x64xf32, #tpu.memory_space<vmem_shared>>
        tpu.wait_indirect_dma semaphore(%run_scoped3A_349 : memref<!tpu.dma_semaphore, #tpu.memory_space<semaphore_mem>>) src(%dma_wait3A_363 : memref<128x64xf32, #tpu.memory_space<vmem>>) dst(%dma_wait3A_369 : memref<10240x64xf32, #tpu.memory_space<vmem_shared>>)
        tpu.yield
      }) : () -> ()
      %add3A_174 = arith.constant 1 : i32
      %add3A_175 = arith.addi %add3A_152, %add3A_174 : i32
      %dma_wait3A_176 = arith.constant 0 : i32
      %dma_wait3A_177 = arith.constant 1 : i32
      %dma_wait3A_178 = arith.constant 1 : i32
      %dma_wait3A_179 = arith.constant 0 : i32
      %dma_wait3A_180 = arith.constant 0 : i32
      %dma_wait3A_181 = tpu.memref_slice %arg8[%dma_wait3A_177, %dma_wait3A_179, %dma_wait3A_180] : memref<8x128x64xf32, #tpu.memory_space<vmem>> -> memref<1x128x64xf32, #tpu.memory_space<vmem>>
      %dma_wait3A_182 = tpu.memref_squeeze %dma_wait3A_181 : memref<1x128x64xf32, #tpu.memory_space<vmem>> -> memref<128x64xf32, #tpu.memory_space<vmem>>
      %dma_wait3A_183 = arith.constant 0 : i32
      %dma_wait3A_184 = tpu.memref_slice %arg6[%dma_wait3A_176, %dma_wait3A_183] : memref<80x128xi32, #tpu.memory_space<vmem>> -> memref<1x128xi32, #tpu.memory_space<vmem>>
      %dma_wait3A_185 = tpu.memref_squeeze %dma_wait3A_184 : memref<1x128xi32, #tpu.memory_space<vmem>> -> memref<128xi32, #tpu.memory_space<vmem>>
      %dma_wait3A_186 = arith.constant 0 : i32
      %dma_wait3A_187 = arith.constant 0 : i32
      %dma_wait3A_188 = tpu.memref_slice %arg2[%dma_wait3A_186, %dma_wait3A_187] : memref<10000x64xf32, #tpu.memory_space<hbm>> -> memref<10000x64xf32, #tpu.memory_space<hbm>>
      %dma_wait3A_189 = tpu.memref_slice %arg10[%dma_wait3A_178] : memref<8x!tpu.dma_semaphore, #tpu.memory_space<semaphore_mem>> -> memref<1x!tpu.dma_semaphore, #tpu.memory_space<semaphore_mem>>
      %dma_wait3A_190 = tpu.memref_squeeze %dma_wait3A_189 : memref<1x!tpu.dma_semaphore, #tpu.memory_space<semaphore_mem>> -> memref<!tpu.dma_semaphore, #tpu.memory_space<semaphore_mem>>
      tpu.wait_indirect_dma semaphore(%dma_wait3A_190 : memref<!tpu.dma_semaphore, #tpu.memory_space<semaphore_mem>>) src(%dma_wait3A_188 : memref<10000x64xf32, #tpu.memory_space<hbm>>) dst(%dma_wait3A_182 : memref<128x64xf32, #tpu.memory_space<vmem>>)
      %add3A_191 = arith.constant 7 : i32
      %add3A_192 = arith.addi %add3A_175, %add3A_191 : i32
      %lt3A_193 = arith.constant 80 : i32
      %lt3A_194 = arith.cmpi slt, %add3A_192, %lt3A_193 : i32
      %convert_element_type3A_195 = arith.extui %lt3A_194 : i1 to i32
      %cond3A_196 = arith.constant 0 : i32
      %cond3A_197 = arith.cmpi ne, %convert_element_type3A_195, %cond3A_196 : i32
      scf.if %cond3A_197 {
        %add3A_349 = arith.constant 7 : i32
        %add3A_350 = arith.addi %add3A_175, %add3A_349 : i32
        %dma_start3A_351 = arith.constant 0 : i32
        %dma_start3A_352 = arith.constant 0 : i32
        %dma_start3A_353 = arith.constant 0 : i32
        %dma_start3A_354 = arith.constant 0 : i32
        %dma_start3A_355 = tpu.memref_slice %arg8[%dma_start3A_351, %dma_start3A_353, %dma_start3A_354] : memref<8x128x64xf32, #tpu.memory_space<vmem>> -> memref<1x128x64xf32, #tpu.memory_space<vmem>>
        %dma_start3A_356 = tpu.memref_squeeze %dma_start3A_355 : memref<1x128x64xf32, #tpu.memory_space<vmem>> -> memref<128x64xf32, #tpu.memory_space<vmem>>
        %dma_start3A_357 = arith.constant 0 : i32
        %dma_start3A_358 = tpu.memref_slice %arg6[%add3A_350, %dma_start3A_357] : memref<80x128xi32, #tpu.memory_space<vmem>> -> memref<1x128xi32, #tpu.memory_space<vmem>>
        %dma_start3A_359 = tpu.memref_squeeze %dma_start3A_358 : memref<1x128xi32, #tpu.memory_space<vmem>> -> memref<128xi32, #tpu.memory_space<vmem>>
        %dma_start3A_360 = arith.constant 0 : i32
        %dma_start3A_361 = arith.constant 0 : i32
        %dma_start3A_362 = tpu.memref_slice %arg2[%dma_start3A_360, %dma_start3A_361] : memref<10000x64xf32, #tpu.memory_space<hbm>> -> memref<10000x64xf32, #tpu.memory_space<hbm>>
        %dma_start3A_363 = tpu.memref_slice %arg10[%dma_start3A_352] : memref<8x!tpu.dma_semaphore, #tpu.memory_space<semaphore_mem>> -> memref<1x!tpu.dma_semaphore, #tpu.memory_space<semaphore_mem>>
        %dma_start3A_364 = tpu.memref_squeeze %dma_start3A_363 : memref<1x!tpu.dma_semaphore, #tpu.memory_space<semaphore_mem>> -> memref<!tpu.dma_semaphore, #tpu.memory_space<semaphore_mem>>
        tpu.enqueue_indirect_dma source(%dma_start3A_362 : memref<10000x64xf32, #tpu.memory_space<hbm>>) target(%dma_start3A_356 : memref<128x64xf32, #tpu.memory_space<vmem>>) offsets(%dma_start3A_359 : memref<128xi32, #tpu.memory_space<vmem>>) semaphore(%dma_start3A_364 : memref<!tpu.dma_semaphore, #tpu.memory_space<semaphore_mem>>)
      } else {
      }
      %run_scoped3A_198 = arith.constant 1 : i32
      "tpu.region"() ({
        %run_scoped3A_349 = tpu.sem_alloc : memref<!tpu.dma_semaphore, #tpu.memory_space<semaphore_mem>>
        %dma_start3A_350 = arith.constant 0 : i32
        %dma_start3A_351 = arith.constant 0 : i32
        %dma_start3A_352 = tpu.memref_slice %arg8[%run_scoped3A_198, %dma_start3A_350, %dma_start3A_351] : memref<8x128x64xf32, #tpu.memory_space<vmem>> -> memref<1x128x64xf32, #tpu.memory_space<vmem>>
        %dma_start3A_353 = tpu.memref_squeeze %dma_start3A_352 : memref<1x128x64xf32, #tpu.memory_space<vmem>> -> memref<128x64xf32, #tpu.memory_space<vmem>>
        %dma_start3A_354 = arith.constant 0 : i32
        %dma_start3A_355 = tpu.memref_slice %arg7[%add3A_175, %dma_start3A_354] : memref<80x128xi32, #tpu.memory_space<vmem>> -> memref<1x128xi32, #tpu.memory_space<vmem>>
        %dma_start3A_356 = tpu.memref_squeeze %dma_start3A_355 : memref<1x128xi32, #tpu.memory_space<vmem>> -> memref<128xi32, #tpu.memory_space<vmem>>
        %dma_start3A_357 = arith.constant 0 : i32
        %dma_start3A_358 = arith.constant 0 : i32
        %dma_start3A_359 = tpu.memref_slice %arg9[%dma_start3A_357, %dma_start3A_358] : memref<10240x64xf32, #tpu.memory_space<vmem_shared>> -> memref<10240x64xf32, #tpu.memory_space<vmem_shared>>
        tpu.enqueue_indirect_dma source(%dma_start3A_353 : memref<128x64xf32, #tpu.memory_space<vmem>>) target(%dma_start3A_359 : memref<10240x64xf32, #tpu.memory_space<vmem_shared>>) offsets(%dma_start3A_356 : memref<128xi32, #tpu.memory_space<vmem>>) semaphore(%run_scoped3A_349 : memref<!tpu.dma_semaphore, #tpu.memory_space<semaphore_mem>>) {add = true}
        %dma_wait3A_360 = arith.constant 0 : i32
        %dma_wait3A_361 = arith.constant 0 : i32
        %dma_wait3A_362 = tpu.memref_slice %arg8[%run_scoped3A_198, %dma_wait3A_360, %dma_wait3A_361] : memref<8x128x64xf32, #tpu.memory_space<vmem>> -> memref<1x128x64xf32, #tpu.memory_space<vmem>>
        %dma_wait3A_363 = tpu.memref_squeeze %dma_wait3A_362 : memref<1x128x64xf32, #tpu.memory_space<vmem>> -> memref<128x64xf32, #tpu.memory_space<vmem>>
        %dma_wait3A_364 = arith.constant 0 : i32
        %dma_wait3A_365 = tpu.memref_slice %arg7[%add3A_175, %dma_wait3A_364] : memref<80x128xi32, #tpu.memory_space<vmem>> -> memref<1x128xi32, #tpu.memory_space<vmem>>
        %dma_wait3A_366 = tpu.memref_squeeze %dma_wait3A_365 : memref<1x128xi32, #tpu.memory_space<vmem>> -> memref<128xi32, #tpu.memory_space<vmem>>
        %dma_wait3A_367 = arith.constant 0 : i32
        %dma_wait3A_368 = arith.constant 0 : i32
        %dma_wait3A_369 = tpu.memref_slice %arg9[%dma_wait3A_367, %dma_wait3A_368] : memref<10240x64xf32, #tpu.memory_space<vmem_shared>> -> memref<10240x64xf32, #tpu.memory_space<vmem_shared>>
        tpu.wait_indirect_dma semaphore(%run_scoped3A_349 : memref<!tpu.dma_semaphore, #tpu.memory_space<semaphore_mem>>) src(%dma_wait3A_363 : memref<128x64xf32, #tpu.memory_space<vmem>>) dst(%dma_wait3A_369 : memref<10240x64xf32, #tpu.memory_space<vmem_shared>>)
        tpu.yield
      }) : () -> ()
      %add3A_199 = arith.constant 2 : i32
      %add3A_200 = arith.addi %add3A_152, %add3A_199 : i32
      %dma_wait3A_201 = arith.constant 0 : i32
      %dma_wait3A_202 = arith.constant 2 : i32
      %dma_wait3A_203 = arith.constant 2 : i32
      %dma_wait3A_204 = arith.constant 0 : i32
      %dma_wait3A_205 = arith.constant 0 : i32
      %dma_wait3A_206 = tpu.memref_slice %arg8[%dma_wait3A_202, %dma_wait3A_204, %dma_wait3A_205] : memref<8x128x64xf32, #tpu.memory_space<vmem>> -> memref<1x128x64xf32, #tpu.memory_space<vmem>>
      %dma_wait3A_207 = tpu.memref_squeeze %dma_wait3A_206 : memref<1x128x64xf32, #tpu.memory_space<vmem>> -> memref<128x64xf32, #tpu.memory_space<vmem>>
      %dma_wait3A_208 = arith.constant 0 : i32
      %dma_wait3A_209 = tpu.memref_slice %arg6[%dma_wait3A_201, %dma_wait3A_208] : memref<80x128xi32, #tpu.memory_space<vmem>> -> memref<1x128xi32, #tpu.memory_space<vmem>>
      %dma_wait3A_210 = tpu.memref_squeeze %dma_wait3A_209 : memref<1x128xi32, #tpu.memory_space<vmem>> -> memref<128xi32, #tpu.memory_space<vmem>>
      %dma_wait3A_211 = arith.constant 0 : i32
      %dma_wait3A_212 = arith.constant 0 : i32
      %dma_wait3A_213 = tpu.memref_slice %arg2[%dma_wait3A_211, %dma_wait3A_212] : memref<10000x64xf32, #tpu.memory_space<hbm>> -> memref<10000x64xf32, #tpu.memory_space<hbm>>
      %dma_wait3A_214 = tpu.memref_slice %arg10[%dma_wait3A_203] : memref<8x!tpu.dma_semaphore, #tpu.memory_space<semaphore_mem>> -> memref<1x!tpu.dma_semaphore, #tpu.memory_space<semaphore_mem>>
      %dma_wait3A_215 = tpu.memref_squeeze %dma_wait3A_214 : memref<1x!tpu.dma_semaphore, #tpu.memory_space<semaphore_mem>> -> memref<!tpu.dma_semaphore, #tpu.memory_space<semaphore_mem>>
      tpu.wait_indirect_dma semaphore(%dma_wait3A_215 : memref<!tpu.dma_semaphore, #tpu.memory_space<semaphore_mem>>) src(%dma_wait3A_213 : memref<10000x64xf32, #tpu.memory_space<hbm>>) dst(%dma_wait3A_207 : memref<128x64xf32, #tpu.memory_space<vmem>>)
      %add3A_216 = arith.constant 7 : i32
      %add3A_217 = arith.addi %add3A_200, %add3A_216 : i32
      %lt3A_218 = arith.constant 80 : i32
      %lt3A_219 = arith.cmpi slt, %add3A_217, %lt3A_218 : i32
      %convert_element_type3A_220 = arith.extui %lt3A_219 : i1 to i32
      %cond3A_221 = arith.constant 0 : i32
      %cond3A_222 = arith.cmpi ne, %convert_element_type3A_220, %cond3A_221 : i32
      scf.if %cond3A_222 {
        %add3A_349 = arith.constant 7 : i32
        %add3A_350 = arith.addi %add3A_200, %add3A_349 : i32
        %dma_start3A_351 = arith.constant 1 : i32
        %dma_start3A_352 = arith.constant 1 : i32
        %dma_start3A_353 = arith.constant 0 : i32
        %dma_start3A_354 = arith.constant 0 : i32
        %dma_start3A_355 = tpu.memref_slice %arg8[%dma_start3A_351, %dma_start3A_353, %dma_start3A_354] : memref<8x128x64xf32, #tpu.memory_space<vmem>> -> memref<1x128x64xf32, #tpu.memory_space<vmem>>
        %dma_start3A_356 = tpu.memref_squeeze %dma_start3A_355 : memref<1x128x64xf32, #tpu.memory_space<vmem>> -> memref<128x64xf32, #tpu.memory_space<vmem>>
        %dma_start3A_357 = arith.constant 0 : i32
        %dma_start3A_358 = tpu.memref_slice %arg6[%add3A_350, %dma_start3A_357] : memref<80x128xi32, #tpu.memory_space<vmem>> -> memref<1x128xi32, #tpu.memory_space<vmem>>
        %dma_start3A_359 = tpu.memref_squeeze %dma_start3A_358 : memref<1x128xi32, #tpu.memory_space<vmem>> -> memref<128xi32, #tpu.memory_space<vmem>>
        %dma_start3A_360 = arith.constant 0 : i32
        %dma_start3A_361 = arith.constant 0 : i32
        %dma_start3A_362 = tpu.memref_slice %arg2[%dma_start3A_360, %dma_start3A_361] : memref<10000x64xf32, #tpu.memory_space<hbm>> -> memref<10000x64xf32, #tpu.memory_space<hbm>>
        %dma_start3A_363 = tpu.memref_slice %arg10[%dma_start3A_352] : memref<8x!tpu.dma_semaphore, #tpu.memory_space<semaphore_mem>> -> memref<1x!tpu.dma_semaphore, #tpu.memory_space<semaphore_mem>>
        %dma_start3A_364 = tpu.memref_squeeze %dma_start3A_363 : memref<1x!tpu.dma_semaphore, #tpu.memory_space<semaphore_mem>> -> memref<!tpu.dma_semaphore, #tpu.memory_space<semaphore_mem>>
        tpu.enqueue_indirect_dma source(%dma_start3A_362 : memref<10000x64xf32, #tpu.memory_space<hbm>>) target(%dma_start3A_356 : memref<128x64xf32, #tpu.memory_space<vmem>>) offsets(%dma_start3A_359 : memref<128xi32, #tpu.memory_space<vmem>>) semaphore(%dma_start3A_364 : memref<!tpu.dma_semaphore, #tpu.memory_space<semaphore_mem>>)
      } else {
      }
      %run_scoped3A_223 = arith.constant 2 : i32
      "tpu.region"() ({
        %run_scoped3A_349 = tpu.sem_alloc : memref<!tpu.dma_semaphore, #tpu.memory_space<semaphore_mem>>
        %dma_start3A_350 = arith.constant 0 : i32
        %dma_start3A_351 = arith.constant 0 : i32
        %dma_start3A_352 = tpu.memref_slice %arg8[%run_scoped3A_223, %dma_start3A_350, %dma_start3A_351] : memref<8x128x64xf32, #tpu.memory_space<vmem>> -> memref<1x128x64xf32, #tpu.memory_space<vmem>>
        %dma_start3A_353 = tpu.memref_squeeze %dma_start3A_352 : memref<1x128x64xf32, #tpu.memory_space<vmem>> -> memref<128x64xf32, #tpu.memory_space<vmem>>
        %dma_start3A_354 = arith.constant 0 : i32
        %dma_start3A_355 = tpu.memref_slice %arg7[%add3A_200, %dma_start3A_354] : memref<80x128xi32, #tpu.memory_space<vmem>> -> memref<1x128xi32, #tpu.memory_space<vmem>>
        %dma_start3A_356 = tpu.memref_squeeze %dma_start3A_355 : memref<1x128xi32, #tpu.memory_space<vmem>> -> memref<128xi32, #tpu.memory_space<vmem>>
        %dma_start3A_357 = arith.constant 0 : i32
        %dma_start3A_358 = arith.constant 0 : i32
        %dma_start3A_359 = tpu.memref_slice %arg9[%dma_start3A_357, %dma_start3A_358] : memref<10240x64xf32, #tpu.memory_space<vmem_shared>> -> memref<10240x64xf32, #tpu.memory_space<vmem_shared>>
        tpu.enqueue_indirect_dma source(%dma_start3A_353 : memref<128x64xf32, #tpu.memory_space<vmem>>) target(%dma_start3A_359 : memref<10240x64xf32, #tpu.memory_space<vmem_shared>>) offsets(%dma_start3A_356 : memref<128xi32, #tpu.memory_space<vmem>>) semaphore(%run_scoped3A_349 : memref<!tpu.dma_semaphore, #tpu.memory_space<semaphore_mem>>) {add = true}
        %dma_wait3A_360 = arith.constant 0 : i32
        %dma_wait3A_361 = arith.constant 0 : i32
        %dma_wait3A_362 = tpu.memref_slice %arg8[%run_scoped3A_223, %dma_wait3A_360, %dma_wait3A_361] : memref<8x128x64xf32, #tpu.memory_space<vmem>> -> memref<1x128x64xf32, #tpu.memory_space<vmem>>
        %dma_wait3A_363 = tpu.memref_squeeze %dma_wait3A_362 : memref<1x128x64xf32, #tpu.memory_space<vmem>> -> memref<128x64xf32, #tpu.memory_space<vmem>>
        %dma_wait3A_364 = arith.constant 0 : i32
        %dma_wait3A_365 = tpu.memref_slice %arg7[%add3A_200, %dma_wait3A_364] : memref<80x128xi32, #tpu.memory_space<vmem>> -> memref<1x128xi32, #tpu.memory_space<vmem>>
        %dma_wait3A_366 = tpu.memref_squeeze %dma_wait3A_365 : memref<1x128xi32, #tpu.memory_space<vmem>> -> memref<128xi32, #tpu.memory_space<vmem>>
        %dma_wait3A_367 = arith.constant 0 : i32
        %dma_wait3A_368 = arith.constant 0 : i32
        %dma_wait3A_369 = tpu.memref_slice %arg9[%dma_wait3A_367, %dma_wait3A_368] : memref<10240x64xf32, #tpu.memory_space<vmem_shared>> -> memref<10240x64xf32, #tpu.memory_space<vmem_shared>>
        tpu.wait_indirect_dma semaphore(%run_scoped3A_349 : memref<!tpu.dma_semaphore, #tpu.memory_space<semaphore_mem>>) src(%dma_wait3A_363 : memref<128x64xf32, #tpu.memory_space<vmem>>) dst(%dma_wait3A_369 : memref<10240x64xf32, #tpu.memory_space<vmem_shared>>)
        tpu.yield
      }) : () -> ()
      %add3A_224 = arith.constant 3 : i32
      %add3A_225 = arith.addi %add3A_152, %add3A_224 : i32
      %dma_wait3A_226 = arith.constant 0 : i32
      %dma_wait3A_227 = arith.constant 3 : i32
      %dma_wait3A_228 = arith.constant 3 : i32
      %dma_wait3A_229 = arith.constant 0 : i32
      %dma_wait3A_230 = arith.constant 0 : i32
      %dma_wait3A_231 = tpu.memref_slice %arg8[%dma_wait3A_227, %dma_wait3A_229, %dma_wait3A_230] : memref<8x128x64xf32, #tpu.memory_space<vmem>> -> memref<1x128x64xf32, #tpu.memory_space<vmem>>
      %dma_wait3A_232 = tpu.memref_squeeze %dma_wait3A_231 : memref<1x128x64xf32, #tpu.memory_space<vmem>> -> memref<128x64xf32, #tpu.memory_space<vmem>>
      %dma_wait3A_233 = arith.constant 0 : i32
      %dma_wait3A_234 = tpu.memref_slice %arg6[%dma_wait3A_226, %dma_wait3A_233] : memref<80x128xi32, #tpu.memory_space<vmem>> -> memref<1x128xi32, #tpu.memory_space<vmem>>
      %dma_wait3A_235 = tpu.memref_squeeze %dma_wait3A_234 : memref<1x128xi32, #tpu.memory_space<vmem>> -> memref<128xi32, #tpu.memory_space<vmem>>
      %dma_wait3A_236 = arith.constant 0 : i32
      %dma_wait3A_237 = arith.constant 0 : i32
      %dma_wait3A_238 = tpu.memref_slice %arg2[%dma_wait3A_236, %dma_wait3A_237] : memref<10000x64xf32, #tpu.memory_space<hbm>> -> memref<10000x64xf32, #tpu.memory_space<hbm>>
      %dma_wait3A_239 = tpu.memref_slice %arg10[%dma_wait3A_228] : memref<8x!tpu.dma_semaphore, #tpu.memory_space<semaphore_mem>> -> memref<1x!tpu.dma_semaphore, #tpu.memory_space<semaphore_mem>>
      %dma_wait3A_240 = tpu.memref_squeeze %dma_wait3A_239 : memref<1x!tpu.dma_semaphore, #tpu.memory_space<semaphore_mem>> -> memref<!tpu.dma_semaphore, #tpu.memory_space<semaphore_mem>>
      tpu.wait_indirect_dma semaphore(%dma_wait3A_240 : memref<!tpu.dma_semaphore, #tpu.memory_space<semaphore_mem>>) src(%dma_wait3A_238 : memref<10000x64xf32, #tpu.memory_space<hbm>>) dst(%dma_wait3A_232 : memref<128x64xf32, #tpu.memory_space<vmem>>)
      %add3A_241 = arith.constant 7 : i32
      %add3A_242 = arith.addi %add3A_225, %add3A_241 : i32
      %lt3A_243 = arith.constant 80 : i32
      %lt3A_244 = arith.cmpi slt, %add3A_242, %lt3A_243 : i32
      %convert_element_type3A_245 = arith.extui %lt3A_244 : i1 to i32
      %cond3A_246 = arith.constant 0 : i32
      %cond3A_247 = arith.cmpi ne, %convert_element_type3A_245, %cond3A_246 : i32
      scf.if %cond3A_247 {
        %add3A_349 = arith.constant 7 : i32
        %add3A_350 = arith.addi %add3A_225, %add3A_349 : i32
        %dma_start3A_351 = arith.constant 2 : i32
        %dma_start3A_352 = arith.constant 2 : i32
        %dma_start3A_353 = arith.constant 0 : i32
        %dma_start3A_354 = arith.constant 0 : i32
        %dma_start3A_355 = tpu.memref_slice %arg8[%dma_start3A_351, %dma_start3A_353, %dma_start3A_354] : memref<8x128x64xf32, #tpu.memory_space<vmem>> -> memref<1x128x64xf32, #tpu.memory_space<vmem>>
        %dma_start3A_356 = tpu.memref_squeeze %dma_start3A_355 : memref<1x128x64xf32, #tpu.memory_space<vmem>> -> memref<128x64xf32, #tpu.memory_space<vmem>>
        %dma_start3A_357 = arith.constant 0 : i32
        %dma_start3A_358 = tpu.memref_slice %arg6[%add3A_350, %dma_start3A_357] : memref<80x128xi32, #tpu.memory_space<vmem>> -> memref<1x128xi32, #tpu.memory_space<vmem>>
        %dma_start3A_359 = tpu.memref_squeeze %dma_start3A_358 : memref<1x128xi32, #tpu.memory_space<vmem>> -> memref<128xi32, #tpu.memory_space<vmem>>
        %dma_start3A_360 = arith.constant 0 : i32
        %dma_start3A_361 = arith.constant 0 : i32
        %dma_start3A_362 = tpu.memref_slice %arg2[%dma_start3A_360, %dma_start3A_361] : memref<10000x64xf32, #tpu.memory_space<hbm>> -> memref<10000x64xf32, #tpu.memory_space<hbm>>
        %dma_start3A_363 = tpu.memref_slice %arg10[%dma_start3A_352] : memref<8x!tpu.dma_semaphore, #tpu.memory_space<semaphore_mem>> -> memref<1x!tpu.dma_semaphore, #tpu.memory_space<semaphore_mem>>
        %dma_start3A_364 = tpu.memref_squeeze %dma_start3A_363 : memref<1x!tpu.dma_semaphore, #tpu.memory_space<semaphore_mem>> -> memref<!tpu.dma_semaphore, #tpu.memory_space<semaphore_mem>>
        tpu.enqueue_indirect_dma source(%dma_start3A_362 : memref<10000x64xf32, #tpu.memory_space<hbm>>) target(%dma_start3A_356 : memref<128x64xf32, #tpu.memory_space<vmem>>) offsets(%dma_start3A_359 : memref<128xi32, #tpu.memory_space<vmem>>) semaphore(%dma_start3A_364 : memref<!tpu.dma_semaphore, #tpu.memory_space<semaphore_mem>>)
      } else {
      }
      %run_scoped3A_248 = arith.constant 3 : i32
      "tpu.region"() ({
        %run_scoped3A_349 = tpu.sem_alloc : memref<!tpu.dma_semaphore, #tpu.memory_space<semaphore_mem>>
        %dma_start3A_350 = arith.constant 0 : i32
        %dma_start3A_351 = arith.constant 0 : i32
        %dma_start3A_352 = tpu.memref_slice %arg8[%run_scoped3A_248, %dma_start3A_350, %dma_start3A_351] : memref<8x128x64xf32, #tpu.memory_space<vmem>> -> memref<1x128x64xf32, #tpu.memory_space<vmem>>
        %dma_start3A_353 = tpu.memref_squeeze %dma_start3A_352 : memref<1x128x64xf32, #tpu.memory_space<vmem>> -> memref<128x64xf32, #tpu.memory_space<vmem>>
        %dma_start3A_354 = arith.constant 0 : i32
        %dma_start3A_355 = tpu.memref_slice %arg7[%add3A_225, %dma_start3A_354] : memref<80x128xi32, #tpu.memory_space<vmem>> -> memref<1x128xi32, #tpu.memory_space<vmem>>
        %dma_start3A_356 = tpu.memref_squeeze %dma_start3A_355 : memref<1x128xi32, #tpu.memory_space<vmem>> -> memref<128xi32, #tpu.memory_space<vmem>>
        %dma_start3A_357 = arith.constant 0 : i32
        %dma_start3A_358 = arith.constant 0 : i32
        %dma_start3A_359 = tpu.memref_slice %arg9[%dma_start3A_357, %dma_start3A_358] : memref<10240x64xf32, #tpu.memory_space<vmem_shared>> -> memref<10240x64xf32, #tpu.memory_space<vmem_shared>>
        tpu.enqueue_indirect_dma source(%dma_start3A_353 : memref<128x64xf32, #tpu.memory_space<vmem>>) target(%dma_start3A_359 : memref<10240x64xf32, #tpu.memory_space<vmem_shared>>) offsets(%dma_start3A_356 : memref<128xi32, #tpu.memory_space<vmem>>) semaphore(%run_scoped3A_349 : memref<!tpu.dma_semaphore, #tpu.memory_space<semaphore_mem>>) {add = true}
        %dma_wait3A_360 = arith.constant 0 : i32
        %dma_wait3A_361 = arith.constant 0 : i32
        %dma_wait3A_362 = tpu.memref_slice %arg8[%run_scoped3A_248, %dma_wait3A_360, %dma_wait3A_361] : memref<8x128x64xf32, #tpu.memory_space<vmem>> -> memref<1x128x64xf32, #tpu.memory_space<vmem>>
        %dma_wait3A_363 = tpu.memref_squeeze %dma_wait3A_362 : memref<1x128x64xf32, #tpu.memory_space<vmem>> -> memref<128x64xf32, #tpu.memory_space<vmem>>
        %dma_wait3A_364 = arith.constant 0 : i32
        %dma_wait3A_365 = tpu.memref_slice %arg7[%add3A_225, %dma_wait3A_364] : memref<80x128xi32, #tpu.memory_space<vmem>> -> memref<1x128xi32, #tpu.memory_space<vmem>>
        %dma_wait3A_366 = tpu.memref_squeeze %dma_wait3A_365 : memref<1x128xi32, #tpu.memory_space<vmem>> -> memref<128xi32, #tpu.memory_space<vmem>>
        %dma_wait3A_367 = arith.constant 0 : i32
        %dma_wait3A_368 = arith.constant 0 : i32
        %dma_wait3A_369 = tpu.memref_slice %arg9[%dma_wait3A_367, %dma_wait3A_368] : memref<10240x64xf32, #tpu.memory_space<vmem_shared>> -> memref<10240x64xf32, #tpu.memory_space<vmem_shared>>
        tpu.wait_indirect_dma semaphore(%run_scoped3A_349 : memref<!tpu.dma_semaphore, #tpu.memory_space<semaphore_mem>>) src(%dma_wait3A_363 : memref<128x64xf32, #tpu.memory_space<vmem>>) dst(%dma_wait3A_369 : memref<10240x64xf32, #tpu.memory_space<vmem_shared>>)
        tpu.yield
      }) : () -> ()
      %add3A_249 = arith.constant 4 : i32
      %add3A_250 = arith.addi %add3A_152, %add3A_249 : i32
      %dma_wait3A_251 = arith.constant 0 : i32
      %dma_wait3A_252 = arith.constant 4 : i32
      %dma_wait3A_253 = arith.constant 4 : i32
      %dma_wait3A_254 = arith.constant 0 : i32
      %dma_wait3A_255 = arith.constant 0 : i32
      %dma_wait3A_256 = tpu.memref_slice %arg8[%dma_wait3A_252, %dma_wait3A_254, %dma_wait3A_255] : memref<8x128x64xf32, #tpu.memory_space<vmem>> -> memref<1x128x64xf32, #tpu.memory_space<vmem>>
      %dma_wait3A_257 = tpu.memref_squeeze %dma_wait3A_256 : memref<1x128x64xf32, #tpu.memory_space<vmem>> -> memref<128x64xf32, #tpu.memory_space<vmem>>
      %dma_wait3A_258 = arith.constant 0 : i32
      %dma_wait3A_259 = tpu.memref_slice %arg6[%dma_wait3A_251, %dma_wait3A_258] : memref<80x128xi32, #tpu.memory_space<vmem>> -> memref<1x128xi32, #tpu.memory_space<vmem>>
      %dma_wait3A_260 = tpu.memref_squeeze %dma_wait3A_259 : memref<1x128xi32, #tpu.memory_space<vmem>> -> memref<128xi32, #tpu.memory_space<vmem>>
      %dma_wait3A_261 = arith.constant 0 : i32
      %dma_wait3A_262 = arith.constant 0 : i32
      %dma_wait3A_263 = tpu.memref_slice %arg2[%dma_wait3A_261, %dma_wait3A_262] : memref<10000x64xf32, #tpu.memory_space<hbm>> -> memref<10000x64xf32, #tpu.memory_space<hbm>>
      %dma_wait3A_264 = tpu.memref_slice %arg10[%dma_wait3A_253] : memref<8x!tpu.dma_semaphore, #tpu.memory_space<semaphore_mem>> -> memref<1x!tpu.dma_semaphore, #tpu.memory_space<semaphore_mem>>
      %dma_wait3A_265 = tpu.memref_squeeze %dma_wait3A_264 : memref<1x!tpu.dma_semaphore, #tpu.memory_space<semaphore_mem>> -> memref<!tpu.dma_semaphore, #tpu.memory_space<semaphore_mem>>
      tpu.wait_indirect_dma semaphore(%dma_wait3A_265 : memref<!tpu.dma_semaphore, #tpu.memory_space<semaphore_mem>>) src(%dma_wait3A_263 : memref<10000x64xf32, #tpu.memory_space<hbm>>) dst(%dma_wait3A_257 : memref<128x64xf32, #tpu.memory_space<vmem>>)
      %add3A_266 = arith.constant 7 : i32
      %add3A_267 = arith.addi %add3A_250, %add3A_266 : i32
      %lt3A_268 = arith.constant 80 : i32
      %lt3A_269 = arith.cmpi slt, %add3A_267, %lt3A_268 : i32
      %convert_element_type3A_270 = arith.extui %lt3A_269 : i1 to i32
      %cond3A_271 = arith.constant 0 : i32
      %cond3A_272 = arith.cmpi ne, %convert_element_type3A_270, %cond3A_271 : i32
      scf.if %cond3A_272 {
        %add3A_349 = arith.constant 7 : i32
        %add3A_350 = arith.addi %add3A_250, %add3A_349 : i32
        %dma_start3A_351 = arith.constant 3 : i32
        %dma_start3A_352 = arith.constant 3 : i32
        %dma_start3A_353 = arith.constant 0 : i32
        %dma_start3A_354 = arith.constant 0 : i32
        %dma_start3A_355 = tpu.memref_slice %arg8[%dma_start3A_351, %dma_start3A_353, %dma_start3A_354] : memref<8x128x64xf32, #tpu.memory_space<vmem>> -> memref<1x128x64xf32, #tpu.memory_space<vmem>>
        %dma_start3A_356 = tpu.memref_squeeze %dma_start3A_355 : memref<1x128x64xf32, #tpu.memory_space<vmem>> -> memref<128x64xf32, #tpu.memory_space<vmem>>
        %dma_start3A_357 = arith.constant 0 : i32
        %dma_start3A_358 = tpu.memref_slice %arg6[%add3A_350, %dma_start3A_357] : memref<80x128xi32, #tpu.memory_space<vmem>> -> memref<1x128xi32, #tpu.memory_space<vmem>>
        %dma_start3A_359 = tpu.memref_squeeze %dma_start3A_358 : memref<1x128xi32, #tpu.memory_space<vmem>> -> memref<128xi32, #tpu.memory_space<vmem>>
        %dma_start3A_360 = arith.constant 0 : i32
        %dma_start3A_361 = arith.constant 0 : i32
        %dma_start3A_362 = tpu.memref_slice %arg2[%dma_start3A_360, %dma_start3A_361] : memref<10000x64xf32, #tpu.memory_space<hbm>> -> memref<10000x64xf32, #tpu.memory_space<hbm>>
        %dma_start3A_363 = tpu.memref_slice %arg10[%dma_start3A_352] : memref<8x!tpu.dma_semaphore, #tpu.memory_space<semaphore_mem>> -> memref<1x!tpu.dma_semaphore, #tpu.memory_space<semaphore_mem>>
        %dma_start3A_364 = tpu.memref_squeeze %dma_start3A_363 : memref<1x!tpu.dma_semaphore, #tpu.memory_space<semaphore_mem>> -> memref<!tpu.dma_semaphore, #tpu.memory_space<semaphore_mem>>
        tpu.enqueue_indirect_dma source(%dma_start3A_362 : memref<10000x64xf32, #tpu.memory_space<hbm>>) target(%dma_start3A_356 : memref<128x64xf32, #tpu.memory_space<vmem>>) offsets(%dma_start3A_359 : memref<128xi32, #tpu.memory_space<vmem>>) semaphore(%dma_start3A_364 : memref<!tpu.dma_semaphore, #tpu.memory_space<semaphore_mem>>)
      } else {
      }
      %run_scoped3A_273 = arith.constant 4 : i32
      "tpu.region"() ({
        %run_scoped3A_349 = tpu.sem_alloc : memref<!tpu.dma_semaphore, #tpu.memory_space<semaphore_mem>>
        %dma_start3A_350 = arith.constant 0 : i32
        %dma_start3A_351 = arith.constant 0 : i32
        %dma_start3A_352 = tpu.memref_slice %arg8[%run_scoped3A_273, %dma_start3A_350, %dma_start3A_351] : memref<8x128x64xf32, #tpu.memory_space<vmem>> -> memref<1x128x64xf32, #tpu.memory_space<vmem>>
        %dma_start3A_353 = tpu.memref_squeeze %dma_start3A_352 : memref<1x128x64xf32, #tpu.memory_space<vmem>> -> memref<128x64xf32, #tpu.memory_space<vmem>>
        %dma_start3A_354 = arith.constant 0 : i32
        %dma_start3A_355 = tpu.memref_slice %arg7[%add3A_250, %dma_start3A_354] : memref<80x128xi32, #tpu.memory_space<vmem>> -> memref<1x128xi32, #tpu.memory_space<vmem>>
        %dma_start3A_356 = tpu.memref_squeeze %dma_start3A_355 : memref<1x128xi32, #tpu.memory_space<vmem>> -> memref<128xi32, #tpu.memory_space<vmem>>
        %dma_start3A_357 = arith.constant 0 : i32
        %dma_start3A_358 = arith.constant 0 : i32
        %dma_start3A_359 = tpu.memref_slice %arg9[%dma_start3A_357, %dma_start3A_358] : memref<10240x64xf32, #tpu.memory_space<vmem_shared>> -> memref<10240x64xf32, #tpu.memory_space<vmem_shared>>
        tpu.enqueue_indirect_dma source(%dma_start3A_353 : memref<128x64xf32, #tpu.memory_space<vmem>>) target(%dma_start3A_359 : memref<10240x64xf32, #tpu.memory_space<vmem_shared>>) offsets(%dma_start3A_356 : memref<128xi32, #tpu.memory_space<vmem>>) semaphore(%run_scoped3A_349 : memref<!tpu.dma_semaphore, #tpu.memory_space<semaphore_mem>>) {add = true}
        %dma_wait3A_360 = arith.constant 0 : i32
        %dma_wait3A_361 = arith.constant 0 : i32
        %dma_wait3A_362 = tpu.memref_slice %arg8[%run_scoped3A_273, %dma_wait3A_360, %dma_wait3A_361] : memref<8x128x64xf32, #tpu.memory_space<vmem>> -> memref<1x128x64xf32, #tpu.memory_space<vmem>>
        %dma_wait3A_363 = tpu.memref_squeeze %dma_wait3A_362 : memref<1x128x64xf32, #tpu.memory_space<vmem>> -> memref<128x64xf32, #tpu.memory_space<vmem>>
        %dma_wait3A_364 = arith.constant 0 : i32
        %dma_wait3A_365 = tpu.memref_slice %arg7[%add3A_250, %dma_wait3A_364] : memref<80x128xi32, #tpu.memory_space<vmem>> -> memref<1x128xi32, #tpu.memory_space<vmem>>
        %dma_wait3A_366 = tpu.memref_squeeze %dma_wait3A_365 : memref<1x128xi32, #tpu.memory_space<vmem>> -> memref<128xi32, #tpu.memory_space<vmem>>
        %dma_wait3A_367 = arith.constant 0 : i32
        %dma_wait3A_368 = arith.constant 0 : i32
        %dma_wait3A_369 = tpu.memref_slice %arg9[%dma_wait3A_367, %dma_wait3A_368] : memref<10240x64xf32, #tpu.memory_space<vmem_shared>> -> memref<10240x64xf32, #tpu.memory_space<vmem_shared>>
        tpu.wait_indirect_dma semaphore(%run_scoped3A_349 : memref<!tpu.dma_semaphore, #tpu.memory_space<semaphore_mem>>) src(%dma_wait3A_363 : memref<128x64xf32, #tpu.memory_space<vmem>>) dst(%dma_wait3A_369 : memref<10240x64xf32, #tpu.memory_space<vmem_shared>>)
        tpu.yield
      }) : () -> ()
      %add3A_274 = arith.constant 5 : i32
      %add3A_275 = arith.addi %add3A_152, %add3A_274 : i32
      %dma_wait3A_276 = arith.constant 0 : i32
      %dma_wait3A_277 = arith.constant 5 : i32
      %dma_wait3A_278 = arith.constant 5 : i32
      %dma_wait3A_279 = arith.constant 0 : i32
      %dma_wait3A_280 = arith.constant 0 : i32
      %dma_wait3A_281 = tpu.memref_slice %arg8[%dma_wait3A_277, %dma_wait3A_279, %dma_wait3A_280] : memref<8x128x64xf32, #tpu.memory_space<vmem>> -> memref<1x128x64xf32, #tpu.memory_space<vmem>>
      %dma_wait3A_282 = tpu.memref_squeeze %dma_wait3A_281 : memref<1x128x64xf32, #tpu.memory_space<vmem>> -> memref<128x64xf32, #tpu.memory_space<vmem>>
      %dma_wait3A_283 = arith.constant 0 : i32
      %dma_wait3A_284 = tpu.memref_slice %arg6[%dma_wait3A_276, %dma_wait3A_283] : memref<80x128xi32, #tpu.memory_space<vmem>> -> memref<1x128xi32, #tpu.memory_space<vmem>>
      %dma_wait3A_285 = tpu.memref_squeeze %dma_wait3A_284 : memref<1x128xi32, #tpu.memory_space<vmem>> -> memref<128xi32, #tpu.memory_space<vmem>>
      %dma_wait3A_286 = arith.constant 0 : i32
      %dma_wait3A_287 = arith.constant 0 : i32
      %dma_wait3A_288 = tpu.memref_slice %arg2[%dma_wait3A_286, %dma_wait3A_287] : memref<10000x64xf32, #tpu.memory_space<hbm>> -> memref<10000x64xf32, #tpu.memory_space<hbm>>
      %dma_wait3A_289 = tpu.memref_slice %arg10[%dma_wait3A_278] : memref<8x!tpu.dma_semaphore, #tpu.memory_space<semaphore_mem>> -> memref<1x!tpu.dma_semaphore, #tpu.memory_space<semaphore_mem>>
      %dma_wait3A_290 = tpu.memref_squeeze %dma_wait3A_289 : memref<1x!tpu.dma_semaphore, #tpu.memory_space<semaphore_mem>> -> memref<!tpu.dma_semaphore, #tpu.memory_space<semaphore_mem>>
      tpu.wait_indirect_dma semaphore(%dma_wait3A_290 : memref<!tpu.dma_semaphore, #tpu.memory_space<semaphore_mem>>) src(%dma_wait3A_288 : memref<10000x64xf32, #tpu.memory_space<hbm>>) dst(%dma_wait3A_282 : memref<128x64xf32, #tpu.memory_space<vmem>>)
      %add3A_291 = arith.constant 7 : i32
      %add3A_292 = arith.addi %add3A_275, %add3A_291 : i32
      %lt3A_293 = arith.constant 80 : i32
      %lt3A_294 = arith.cmpi slt, %add3A_292, %lt3A_293 : i32
      %convert_element_type3A_295 = arith.extui %lt3A_294 : i1 to i32
      %cond3A_296 = arith.constant 0 : i32
      %cond3A_297 = arith.cmpi ne, %convert_element_type3A_295, %cond3A_296 : i32
      scf.if %cond3A_297 {
        %add3A_349 = arith.constant 7 : i32
        %add3A_350 = arith.addi %add3A_275, %add3A_349 : i32
        %dma_start3A_351 = arith.constant 4 : i32
        %dma_start3A_352 = arith.constant 4 : i32
        %dma_start3A_353 = arith.constant 0 : i32
        %dma_start3A_354 = arith.constant 0 : i32
        %dma_start3A_355 = tpu.memref_slice %arg8[%dma_start3A_351, %dma_start3A_353, %dma_start3A_354] : memref<8x128x64xf32, #tpu.memory_space<vmem>> -> memref<1x128x64xf32, #tpu.memory_space<vmem>>
        %dma_start3A_356 = tpu.memref_squeeze %dma_start3A_355 : memref<1x128x64xf32, #tpu.memory_space<vmem>> -> memref<128x64xf32, #tpu.memory_space<vmem>>
        %dma_start3A_357 = arith.constant 0 : i32
        %dma_start3A_358 = tpu.memref_slice %arg6[%add3A_350, %dma_start3A_357] : memref<80x128xi32, #tpu.memory_space<vmem>> -> memref<1x128xi32, #tpu.memory_space<vmem>>
        %dma_start3A_359 = tpu.memref_squeeze %dma_start3A_358 : memref<1x128xi32, #tpu.memory_space<vmem>> -> memref<128xi32, #tpu.memory_space<vmem>>
        %dma_start3A_360 = arith.constant 0 : i32
        %dma_start3A_361 = arith.constant 0 : i32
        %dma_start3A_362 = tpu.memref_slice %arg2[%dma_start3A_360, %dma_start3A_361] : memref<10000x64xf32, #tpu.memory_space<hbm>> -> memref<10000x64xf32, #tpu.memory_space<hbm>>
        %dma_start3A_363 = tpu.memref_slice %arg10[%dma_start3A_352] : memref<8x!tpu.dma_semaphore, #tpu.memory_space<semaphore_mem>> -> memref<1x!tpu.dma_semaphore, #tpu.memory_space<semaphore_mem>>
        %dma_start3A_364 = tpu.memref_squeeze %dma_start3A_363 : memref<1x!tpu.dma_semaphore, #tpu.memory_space<semaphore_mem>> -> memref<!tpu.dma_semaphore, #tpu.memory_space<semaphore_mem>>
        tpu.enqueue_indirect_dma source(%dma_start3A_362 : memref<10000x64xf32, #tpu.memory_space<hbm>>) target(%dma_start3A_356 : memref<128x64xf32, #tpu.memory_space<vmem>>) offsets(%dma_start3A_359 : memref<128xi32, #tpu.memory_space<vmem>>) semaphore(%dma_start3A_364 : memref<!tpu.dma_semaphore, #tpu.memory_space<semaphore_mem>>)
      } else {
      }
      %run_scoped3A_298 = arith.constant 5 : i32
      "tpu.region"() ({
        %run_scoped3A_349 = tpu.sem_alloc : memref<!tpu.dma_semaphore, #tpu.memory_space<semaphore_mem>>
        %dma_start3A_350 = arith.constant 0 : i32
        %dma_start3A_351 = arith.constant 0 : i32
        %dma_start3A_352 = tpu.memref_slice %arg8[%run_scoped3A_298, %dma_start3A_350, %dma_start3A_351] : memref<8x128x64xf32, #tpu.memory_space<vmem>> -> memref<1x128x64xf32, #tpu.memory_space<vmem>>
        %dma_start3A_353 = tpu.memref_squeeze %dma_start3A_352 : memref<1x128x64xf32, #tpu.memory_space<vmem>> -> memref<128x64xf32, #tpu.memory_space<vmem>>
        %dma_start3A_354 = arith.constant 0 : i32
        %dma_start3A_355 = tpu.memref_slice %arg7[%add3A_275, %dma_start3A_354] : memref<80x128xi32, #tpu.memory_space<vmem>> -> memref<1x128xi32, #tpu.memory_space<vmem>>
        %dma_start3A_356 = tpu.memref_squeeze %dma_start3A_355 : memref<1x128xi32, #tpu.memory_space<vmem>> -> memref<128xi32, #tpu.memory_space<vmem>>
        %dma_start3A_357 = arith.constant 0 : i32
        %dma_start3A_358 = arith.constant 0 : i32
        %dma_start3A_359 = tpu.memref_slice %arg9[%dma_start3A_357, %dma_start3A_358] : memref<10240x64xf32, #tpu.memory_space<vmem_shared>> -> memref<10240x64xf32, #tpu.memory_space<vmem_shared>>
        tpu.enqueue_indirect_dma source(%dma_start3A_353 : memref<128x64xf32, #tpu.memory_space<vmem>>) target(%dma_start3A_359 : memref<10240x64xf32, #tpu.memory_space<vmem_shared>>) offsets(%dma_start3A_356 : memref<128xi32, #tpu.memory_space<vmem>>) semaphore(%run_scoped3A_349 : memref<!tpu.dma_semaphore, #tpu.memory_space<semaphore_mem>>) {add = true}
        %dma_wait3A_360 = arith.constant 0 : i32
        %dma_wait3A_361 = arith.constant 0 : i32
        %dma_wait3A_362 = tpu.memref_slice %arg8[%run_scoped3A_298, %dma_wait3A_360, %dma_wait3A_361] : memref<8x128x64xf32, #tpu.memory_space<vmem>> -> memref<1x128x64xf32, #tpu.memory_space<vmem>>
        %dma_wait3A_363 = tpu.memref_squeeze %dma_wait3A_362 : memref<1x128x64xf32, #tpu.memory_space<vmem>> -> memref<128x64xf32, #tpu.memory_space<vmem>>
        %dma_wait3A_364 = arith.constant 0 : i32
        %dma_wait3A_365 = tpu.memref_slice %arg7[%add3A_275, %dma_wait3A_364] : memref<80x128xi32, #tpu.memory_space<vmem>> -> memref<1x128xi32, #tpu.memory_space<vmem>>
        %dma_wait3A_366 = tpu.memref_squeeze %dma_wait3A_365 : memref<1x128xi32, #tpu.memory_space<vmem>> -> memref<128xi32, #tpu.memory_space<vmem>>
        %dma_wait3A_367 = arith.constant 0 : i32
        %dma_wait3A_368 = arith.constant 0 : i32
        %dma_wait3A_369 = tpu.memref_slice %arg9[%dma_wait3A_367, %dma_wait3A_368] : memref<10240x64xf32, #tpu.memory_space<vmem_shared>> -> memref<10240x64xf32, #tpu.memory_space<vmem_shared>>
        tpu.wait_indirect_dma semaphore(%run_scoped3A_349 : memref<!tpu.dma_semaphore, #tpu.memory_space<semaphore_mem>>) src(%dma_wait3A_363 : memref<128x64xf32, #tpu.memory_space<vmem>>) dst(%dma_wait3A_369 : memref<10240x64xf32, #tpu.memory_space<vmem_shared>>)
        tpu.yield
      }) : () -> ()
      %add3A_299 = arith.constant 6 : i32
      %add3A_300 = arith.addi %add3A_152, %add3A_299 : i32
      %dma_wait3A_301 = arith.constant 0 : i32
      %dma_wait3A_302 = arith.constant 6 : i32
      %dma_wait3A_303 = arith.constant 6 : i32
      %dma_wait3A_304 = arith.constant 0 : i32
      %dma_wait3A_305 = arith.constant 0 : i32
      %dma_wait3A_306 = tpu.memref_slice %arg8[%dma_wait3A_302, %dma_wait3A_304, %dma_wait3A_305] : memref<8x128x64xf32, #tpu.memory_space<vmem>> -> memref<1x128x64xf32, #tpu.memory_space<vmem>>
      %dma_wait3A_307 = tpu.memref_squeeze %dma_wait3A_306 : memref<1x128x64xf32, #tpu.memory_space<vmem>> -> memref<128x64xf32, #tpu.memory_space<vmem>>
      %dma_wait3A_308 = arith.constant 0 : i32
      %dma_wait3A_309 = tpu.memref_slice %arg6[%dma_wait3A_301, %dma_wait3A_308] : memref<80x128xi32, #tpu.memory_space<vmem>> -> memref<1x128xi32, #tpu.memory_space<vmem>>
      %dma_wait3A_310 = tpu.memref_squeeze %dma_wait3A_309 : memref<1x128xi32, #tpu.memory_space<vmem>> -> memref<128xi32, #tpu.memory_space<vmem>>
      %dma_wait3A_311 = arith.constant 0 : i32
      %dma_wait3A_312 = arith.constant 0 : i32
      %dma_wait3A_313 = tpu.memref_slice %arg2[%dma_wait3A_311, %dma_wait3A_312] : memref<10000x64xf32, #tpu.memory_space<hbm>> -> memref<10000x64xf32, #tpu.memory_space<hbm>>
      %dma_wait3A_314 = tpu.memref_slice %arg10[%dma_wait3A_303] : memref<8x!tpu.dma_semaphore, #tpu.memory_space<semaphore_mem>> -> memref<1x!tpu.dma_semaphore, #tpu.memory_space<semaphore_mem>>
      %dma_wait3A_315 = tpu.memref_squeeze %dma_wait3A_314 : memref<1x!tpu.dma_semaphore, #tpu.memory_space<semaphore_mem>> -> memref<!tpu.dma_semaphore, #tpu.memory_space<semaphore_mem>>
      tpu.wait_indirect_dma semaphore(%dma_wait3A_315 : memref<!tpu.dma_semaphore, #tpu.memory_space<semaphore_mem>>) src(%dma_wait3A_313 : memref<10000x64xf32, #tpu.memory_space<hbm>>) dst(%dma_wait3A_307 : memref<128x64xf32, #tpu.memory_space<vmem>>)
      %add3A_316 = arith.constant 7 : i32
      %add3A_317 = arith.addi %add3A_300, %add3A_316 : i32
      %lt3A_318 = arith.constant 80 : i32
      %lt3A_319 = arith.cmpi slt, %add3A_317, %lt3A_318 : i32
      %convert_element_type3A_320 = arith.extui %lt3A_319 : i1 to i32
      %cond3A_321 = arith.constant 0 : i32
      %cond3A_322 = arith.cmpi ne, %convert_element_type3A_320, %cond3A_321 : i32
      scf.if %cond3A_322 {
        %add3A_349 = arith.constant 7 : i32
        %add3A_350 = arith.addi %add3A_300, %add3A_349 : i32
        %dma_start3A_351 = arith.constant 5 : i32
        %dma_start3A_352 = arith.constant 5 : i32
        %dma_start3A_353 = arith.constant 0 : i32
        %dma_start3A_354 = arith.constant 0 : i32
        %dma_start3A_355 = tpu.memref_slice %arg8[%dma_start3A_351, %dma_start3A_353, %dma_start3A_354] : memref<8x128x64xf32, #tpu.memory_space<vmem>> -> memref<1x128x64xf32, #tpu.memory_space<vmem>>
        %dma_start3A_356 = tpu.memref_squeeze %dma_start3A_355 : memref<1x128x64xf32, #tpu.memory_space<vmem>> -> memref<128x64xf32, #tpu.memory_space<vmem>>
        %dma_start3A_357 = arith.constant 0 : i32
        %dma_start3A_358 = tpu.memref_slice %arg6[%add3A_350, %dma_start3A_357] : memref<80x128xi32, #tpu.memory_space<vmem>> -> memref<1x128xi32, #tpu.memory_space<vmem>>
        %dma_start3A_359 = tpu.memref_squeeze %dma_start3A_358 : memref<1x128xi32, #tpu.memory_space<vmem>> -> memref<128xi32, #tpu.memory_space<vmem>>
        %dma_start3A_360 = arith.constant 0 : i32
        %dma_start3A_361 = arith.constant 0 : i32
        %dma_start3A_362 = tpu.memref_slice %arg2[%dma_start3A_360, %dma_start3A_361] : memref<10000x64xf32, #tpu.memory_space<hbm>> -> memref<10000x64xf32, #tpu.memory_space<hbm>>
        %dma_start3A_363 = tpu.memref_slice %arg10[%dma_start3A_352] : memref<8x!tpu.dma_semaphore, #tpu.memory_space<semaphore_mem>> -> memref<1x!tpu.dma_semaphore, #tpu.memory_space<semaphore_mem>>
        %dma_start3A_364 = tpu.memref_squeeze %dma_start3A_363 : memref<1x!tpu.dma_semaphore, #tpu.memory_space<semaphore_mem>> -> memref<!tpu.dma_semaphore, #tpu.memory_space<semaphore_mem>>
        tpu.enqueue_indirect_dma source(%dma_start3A_362 : memref<10000x64xf32, #tpu.memory_space<hbm>>) target(%dma_start3A_356 : memref<128x64xf32, #tpu.memory_space<vmem>>) offsets(%dma_start3A_359 : memref<128xi32, #tpu.memory_space<vmem>>) semaphore(%dma_start3A_364 : memref<!tpu.dma_semaphore, #tpu.memory_space<semaphore_mem>>)
      } else {
      }
      %run_scoped3A_323 = arith.constant 6 : i32
      "tpu.region"() ({
        %run_scoped3A_349 = tpu.sem_alloc : memref<!tpu.dma_semaphore, #tpu.memory_space<semaphore_mem>>
        %dma_start3A_350 = arith.constant 0 : i32
        %dma_start3A_351 = arith.constant 0 : i32
        %dma_start3A_352 = tpu.memref_slice %arg8[%run_scoped3A_323, %dma_start3A_350, %dma_start3A_351] : memref<8x128x64xf32, #tpu.memory_space<vmem>> -> memref<1x128x64xf32, #tpu.memory_space<vmem>>
        %dma_start3A_353 = tpu.memref_squeeze %dma_start3A_352 : memref<1x128x64xf32, #tpu.memory_space<vmem>> -> memref<128x64xf32, #tpu.memory_space<vmem>>
        %dma_start3A_354 = arith.constant 0 : i32
        %dma_start3A_355 = tpu.memref_slice %arg7[%add3A_300, %dma_start3A_354] : memref<80x128xi32, #tpu.memory_space<vmem>> -> memref<1x128xi32, #tpu.memory_space<vmem>>
        %dma_start3A_356 = tpu.memref_squeeze %dma_start3A_355 : memref<1x128xi32, #tpu.memory_space<vmem>> -> memref<128xi32, #tpu.memory_space<vmem>>
        %dma_start3A_357 = arith.constant 0 : i32
        %dma_start3A_358 = arith.constant 0 : i32
        %dma_start3A_359 = tpu.memref_slice %arg9[%dma_start3A_357, %dma_start3A_358] : memref<10240x64xf32, #tpu.memory_space<vmem_shared>> -> memref<10240x64xf32, #tpu.memory_space<vmem_shared>>
        tpu.enqueue_indirect_dma source(%dma_start3A_353 : memref<128x64xf32, #tpu.memory_space<vmem>>) target(%dma_start3A_359 : memref<10240x64xf32, #tpu.memory_space<vmem_shared>>) offsets(%dma_start3A_356 : memref<128xi32, #tpu.memory_space<vmem>>) semaphore(%run_scoped3A_349 : memref<!tpu.dma_semaphore, #tpu.memory_space<semaphore_mem>>) {add = true}
        %dma_wait3A_360 = arith.constant 0 : i32
        %dma_wait3A_361 = arith.constant 0 : i32
        %dma_wait3A_362 = tpu.memref_slice %arg8[%run_scoped3A_323, %dma_wait3A_360, %dma_wait3A_361] : memref<8x128x64xf32, #tpu.memory_space<vmem>> -> memref<1x128x64xf32, #tpu.memory_space<vmem>>
        %dma_wait3A_363 = tpu.memref_squeeze %dma_wait3A_362 : memref<1x128x64xf32, #tpu.memory_space<vmem>> -> memref<128x64xf32, #tpu.memory_space<vmem>>
        %dma_wait3A_364 = arith.constant 0 : i32
        %dma_wait3A_365 = tpu.memref_slice %arg7[%add3A_300, %dma_wait3A_364] : memref<80x128xi32, #tpu.memory_space<vmem>> -> memref<1x128xi32, #tpu.memory_space<vmem>>
        %dma_wait3A_366 = tpu.memref_squeeze %dma_wait3A_365 : memref<1x128xi32, #tpu.memory_space<vmem>> -> memref<128xi32, #tpu.memory_space<vmem>>
        %dma_wait3A_367 = arith.constant 0 : i32
        %dma_wait3A_368 = arith.constant 0 : i32
        %dma_wait3A_369 = tpu.memref_slice %arg9[%dma_wait3A_367, %dma_wait3A_368] : memref<10240x64xf32, #tpu.memory_space<vmem_shared>> -> memref<10240x64xf32, #tpu.memory_space<vmem_shared>>
        tpu.wait_indirect_dma semaphore(%run_scoped3A_349 : memref<!tpu.dma_semaphore, #tpu.memory_space<semaphore_mem>>) src(%dma_wait3A_363 : memref<128x64xf32, #tpu.memory_space<vmem>>) dst(%dma_wait3A_369 : memref<10240x64xf32, #tpu.memory_space<vmem_shared>>)
        tpu.yield
      }) : () -> ()
      %add3A_324 = arith.constant 7 : i32
      %add3A_325 = arith.addi %add3A_152, %add3A_324 : i32
      %dma_wait3A_326 = arith.constant 0 : i32
      %dma_wait3A_327 = arith.constant 7 : i32
      %dma_wait3A_328 = arith.constant 7 : i32
      %dma_wait3A_329 = arith.constant 0 : i32
      %dma_wait3A_330 = arith.constant 0 : i32
      %dma_wait3A_331 = tpu.memref_slice %arg8[%dma_wait3A_327, %dma_wait3A_329, %dma_wait3A_330] : memref<8x128x64xf32, #tpu.memory_space<vmem>> -> memref<1x128x64xf32, #tpu.memory_space<vmem>>
      %dma_wait3A_332 = tpu.memref_squeeze %dma_wait3A_331 : memref<1x128x64xf32, #tpu.memory_space<vmem>> -> memref<128x64xf32, #tpu.memory_space<vmem>>
      %dma_wait3A_333 = arith.constant 0 : i32
      %dma_wait3A_334 = tpu.memref_slice %arg6[%dma_wait3A_326, %dma_wait3A_333] : memref<80x128xi32, #tpu.memory_space<vmem>> -> memref<1x128xi32, #tpu.memory_space<vmem>>
      %dma_wait3A_335 = tpu.memref_squeeze %dma_wait3A_334 : memref<1x128xi32, #tpu.memory_space<vmem>> -> memref<128xi32, #tpu.memory_space<vmem>>
      %dma_wait3A_336 = arith.constant 0 : i32
      %dma_wait3A_337 = arith.constant 0 : i32
      %dma_wait3A_338 = tpu.memref_slice %arg2[%dma_wait3A_336, %dma_wait3A_337] : memref<10000x64xf32, #tpu.memory_space<hbm>> -> memref<10000x64xf32, #tpu.memory_space<hbm>>
      %dma_wait3A_339 = tpu.memref_slice %arg10[%dma_wait3A_328] : memref<8x!tpu.dma_semaphore, #tpu.memory_space<semaphore_mem>> -> memref<1x!tpu.dma_semaphore, #tpu.memory_space<semaphore_mem>>
      %dma_wait3A_340 = tpu.memref_squeeze %dma_wait3A_339 : memref<1x!tpu.dma_semaphore, #tpu.memory_space<semaphore_mem>> -> memref<!tpu.dma_semaphore, #tpu.memory_space<semaphore_mem>>
      tpu.wait_indirect_dma semaphore(%dma_wait3A_340 : memref<!tpu.dma_semaphore, #tpu.memory_space<semaphore_mem>>) src(%dma_wait3A_338 : memref<10000x64xf32, #tpu.memory_space<hbm>>) dst(%dma_wait3A_332 : memref<128x64xf32, #tpu.memory_space<vmem>>)
      %add3A_341 = arith.constant 7 : i32
      %add3A_342 = arith.addi %add3A_325, %add3A_341 : i32
      %lt3A_343 = arith.constant 80 : i32
      %lt3A_344 = arith.cmpi slt, %add3A_342, %lt3A_343 : i32
      %convert_element_type3A_345 = arith.extui %lt3A_344 : i1 to i32
      %cond3A_346 = arith.constant 0 : i32
      %cond3A_347 = arith.cmpi ne, %convert_element_type3A_345, %cond3A_346 : i32
      scf.if %cond3A_347 {
        %add3A_349 = arith.constant 7 : i32
        %add3A_350 = arith.addi %add3A_325, %add3A_349 : i32
        %dma_start3A_351 = arith.constant 6 : i32
        %dma_start3A_352 = arith.constant 6 : i32
        %dma_start3A_353 = arith.constant 0 : i32
        %dma_start3A_354 = arith.constant 0 : i32
        %dma_start3A_355 = tpu.memref_slice %arg8[%dma_start3A_351, %dma_start3A_353, %dma_start3A_354] : memref<8x128x64xf32, #tpu.memory_space<vmem>> -> memref<1x128x64xf32, #tpu.memory_space<vmem>>
        %dma_start3A_356 = tpu.memref_squeeze %dma_start3A_355 : memref<1x128x64xf32, #tpu.memory_space<vmem>> -> memref<128x64xf32, #tpu.memory_space<vmem>>
        %dma_start3A_357 = arith.constant 0 : i32
        %dma_start3A_358 = tpu.memref_slice %arg6[%add3A_350, %dma_start3A_357] : memref<80x128xi32, #tpu.memory_space<vmem>> -> memref<1x128xi32, #tpu.memory_space<vmem>>
        %dma_start3A_359 = tpu.memref_squeeze %dma_start3A_358 : memref<1x128xi32, #tpu.memory_space<vmem>> -> memref<128xi32, #tpu.memory_space<vmem>>
        %dma_start3A_360 = arith.constant 0 : i32
        %dma_start3A_361 = arith.constant 0 : i32
        %dma_start3A_362 = tpu.memref_slice %arg2[%dma_start3A_360, %dma_start3A_361] : memref<10000x64xf32, #tpu.memory_space<hbm>> -> memref<10000x64xf32, #tpu.memory_space<hbm>>
        %dma_start3A_363 = tpu.memref_slice %arg10[%dma_start3A_352] : memref<8x!tpu.dma_semaphore, #tpu.memory_space<semaphore_mem>> -> memref<1x!tpu.dma_semaphore, #tpu.memory_space<semaphore_mem>>
        %dma_start3A_364 = tpu.memref_squeeze %dma_start3A_363 : memref<1x!tpu.dma_semaphore, #tpu.memory_space<semaphore_mem>> -> memref<!tpu.dma_semaphore, #tpu.memory_space<semaphore_mem>>
        tpu.enqueue_indirect_dma source(%dma_start3A_362 : memref<10000x64xf32, #tpu.memory_space<hbm>>) target(%dma_start3A_356 : memref<128x64xf32, #tpu.memory_space<vmem>>) offsets(%dma_start3A_359 : memref<128xi32, #tpu.memory_space<vmem>>) semaphore(%dma_start3A_364 : memref<!tpu.dma_semaphore, #tpu.memory_space<semaphore_mem>>)
      } else {
      }
      %run_scoped3A_348 = arith.constant 7 : i32
      "tpu.region"() ({
        %run_scoped3A_349 = tpu.sem_alloc : memref<!tpu.dma_semaphore, #tpu.memory_space<semaphore_mem>>
        %dma_start3A_350 = arith.constant 0 : i32
        %dma_start3A_351 = arith.constant 0 : i32
        %dma_start3A_352 = tpu.memref_slice %arg8[%run_scoped3A_348, %dma_start3A_350, %dma_start3A_351] : memref<8x128x64xf32, #tpu.memory_space<vmem>> -> memref<1x128x64xf32, #tpu.memory_space<vmem>>
        %dma_start3A_353 = tpu.memref_squeeze %dma_start3A_352 : memref<1x128x64xf32, #tpu.memory_space<vmem>> -> memref<128x64xf32, #tpu.memory_space<vmem>>
        %dma_start3A_354 = arith.constant 0 : i32
        %dma_start3A_355 = tpu.memref_slice %arg7[%add3A_325, %dma_start3A_354] : memref<80x128xi32, #tpu.memory_space<vmem>> -> memref<1x128xi32, #tpu.memory_space<vmem>>
        %dma_start3A_356 = tpu.memref_squeeze %dma_start3A_355 : memref<1x128xi32, #tpu.memory_space<vmem>> -> memref<128xi32, #tpu.memory_space<vmem>>
        %dma_start3A_357 = arith.constant 0 : i32
        %dma_start3A_358 = arith.constant 0 : i32
        %dma_start3A_359 = tpu.memref_slice %arg9[%dma_start3A_357, %dma_start3A_358] : memref<10240x64xf32, #tpu.memory_space<vmem_shared>> -> memref<10240x64xf32, #tpu.memory_space<vmem_shared>>
        tpu.enqueue_indirect_dma source(%dma_start3A_353 : memref<128x64xf32, #tpu.memory_space<vmem>>) target(%dma_start3A_359 : memref<10240x64xf32, #tpu.memory_space<vmem_shared>>) offsets(%dma_start3A_356 : memref<128xi32, #tpu.memory_space<vmem>>) semaphore(%run_scoped3A_349 : memref<!tpu.dma_semaphore, #tpu.memory_space<semaphore_mem>>) {add = true}
        %dma_wait3A_360 = arith.constant 0 : i32
        %dma_wait3A_361 = arith.constant 0 : i32
        %dma_wait3A_362 = tpu.memref_slice %arg8[%run_scoped3A_348, %dma_wait3A_360, %dma_wait3A_361] : memref<8x128x64xf32, #tpu.memory_space<vmem>> -> memref<1x128x64xf32, #tpu.memory_space<vmem>>
        %dma_wait3A_363 = tpu.memref_squeeze %dma_wait3A_362 : memref<1x128x64xf32, #tpu.memory_space<vmem>> -> memref<128x64xf32, #tpu.memory_space<vmem>>
        %dma_wait3A_364 = arith.constant 0 : i32
        %dma_wait3A_365 = tpu.memref_slice %arg7[%add3A_325, %dma_wait3A_364] : memref<80x128xi32, #tpu.memory_space<vmem>> -> memref<1x128xi32, #tpu.memory_space<vmem>>
        %dma_wait3A_366 = tpu.memref_squeeze %dma_wait3A_365 : memref<1x128xi32, #tpu.memory_space<vmem>> -> memref<128xi32, #tpu.memory_space<vmem>>
        %dma_wait3A_367 = arith.constant 0 : i32
        %dma_wait3A_368 = arith.constant 0 : i32
        %dma_wait3A_369 = tpu.memref_slice %arg9[%dma_wait3A_367, %dma_wait3A_368] : memref<10240x64xf32, #tpu.memory_space<vmem_shared>> -> memref<10240x64xf32, #tpu.memory_space<vmem_shared>>
        tpu.wait_indirect_dma semaphore(%run_scoped3A_349 : memref<!tpu.dma_semaphore, #tpu.memory_space<semaphore_mem>>) src(%dma_wait3A_363 : memref<128x64xf32, #tpu.memory_space<vmem>>) dst(%dma_wait3A_369 : memref<10240x64xf32, #tpu.memory_space<vmem_shared>>)
        tpu.yield
      }) : () -> ()
    }
    %scan3A_142 = arith.constant 10 : i32
    %barrier3A_143 = arith.constant 0 : index
    tpu.barrier barrier_id(%barrier3A_143)
    %mul3A_144 = arith.constant 640 : i32
    %mul3A_145 = arith.muli %arg1, %mul3A_144 : i32
    %mul3A_146 = arith.constant 640 : i32
    %mul3A_147 = arith.muli %arg1, %mul3A_146 : i32
    "tpu.region"() ({
      %run_scoped3A_148 = tpu.sem_alloc : memref<!tpu.dma_semaphore, #tpu.memory_space<semaphore_mem>>
      %dma_start3A_149 = arith.constant 0 : i32
      %dma_start3A_150 = tpu.memref_slice %arg5[%arg0, %mul3A_147, %dma_start3A_149] : memref<2x10240x64xf32, #tpu.memory_space<hbm>> -> memref<1x640x64xf32, #tpu.memory_space<hbm>>
      %dma_start3A_151 = tpu.memref_squeeze %dma_start3A_150 : memref<1x640x64xf32, #tpu.memory_space<hbm>> -> memref<640x64xf32, #tpu.memory_space<hbm>>
      %dma_start3A_152 = arith.constant 0 : i32
      %dma_start3A_153 = tpu.memref_slice %arg9[%mul3A_145, %dma_start3A_152] : memref<10240x64xf32, #tpu.memory_space<vmem_shared>> -> memref<640x64xf32, #tpu.memory_space<vmem_shared>>
      tpu.enqueue_dma source(%dma_start3A_153 : memref<640x64xf32, #tpu.memory_space<vmem_shared>>) target(%dma_start3A_151 : memref<640x64xf32, #tpu.memory_space<hbm>>) target_semaphore(%run_scoped3A_148 : memref<!tpu.dma_semaphore, #tpu.memory_space<semaphore_mem>>)
      %dma_wait3A = arith.constant 0 : i32
      %dma_wait3A_154 = tpu.memref_slice %arg5[%arg0, %mul3A_147, %dma_wait3A] : memref<2x10240x64xf32, #tpu.memory_space<hbm>> -> memref<1x640x64xf32, #tpu.memory_space<hbm>>
      %dma_wait3A_155 = tpu.memref_squeeze %dma_wait3A_154 : memref<1x640x64xf32, #tpu.memory_space<hbm>> -> memref<640x64xf32, #tpu.memory_space<hbm>>
      %dma_wait3A_156 = arith.constant 0 : i32
      %dma_wait3A_157 = tpu.memref_slice %arg9[%mul3A_145, %dma_wait3A_156] : memref<10240x64xf32, #tpu.memory_space<vmem_shared>> -> memref<640x64xf32, #tpu.memory_space<vmem_shared>>
      tpu.wait_dma2 semaphore(%run_scoped3A_148 : memref<!tpu.dma_semaphore, #tpu.memory_space<semaphore_mem>>) src(%dma_wait3A_157 : memref<640x64xf32, #tpu.memory_space<vmem_shared>>) dst(%dma_wait3A_155 : memref<640x64xf32, #tpu.memory_space<hbm>>)
      tpu.yield
    }) : () -> ()
    return
  }
}

module attributes {stable_mosaic.version = 14 : i64} {
  func.func @_mm_body(%arg0: i32, %arg1: memref<1000x32xf32, #tpu.memory_space<vmem>>, %arg2: memref<1000x128xf32, #tpu.memory_space<vmem>>, %arg3: memref<128x64xf32, #tpu.memory_space<vmem>>, %arg4: memref<1000x64xf32, #tpu.memory_space<vmem>>, %arg5: memref<1000x1xf32, #tpu.memory_space<vmem>>) attributes {dimension_semantics = [#tpu.dimension_semantics<arbitrary>], iteration_bounds = array<i64: 10>, scalar_prefetch = 0 : i64, scratch_operands = 0 : i64, tpu.core_type = #tpu.core_type<tc>, window_params = [{transform_indices = @transform_0, window_bounds = array<i64: 1000, 32>}, {transform_indices = @transform_1, window_bounds = array<i64: 1000, 128>}, {pipeline_mode = #tpu.pipeline_mode<synchronous>, transform_indices = @transform_2, window_bounds = array<i64: 128, 64>}, {transform_indices = @transform_3, window_bounds = array<i64: 1000, 64>}, {transform_indices = @transform_4, window_bounds = array<i64: 1000, 1>}]} {
    %get3A = arith.constant 0 : index
    %get3A_0 = arith.constant 0 : index
    %get3A_1 = vector.load %arg1[%get3A, %get3A_0] : memref<1000x32xf32, #tpu.memory_space<vmem>>, vector<1000x32xf32>
    %reduce_sum3A = arith.constant dense<0.000000e+00> : vector<1000xf32>
    %reduce_sum3A_2 = vector.multi_reduction <add>, %get3A_1, %reduce_sum3A [1] : vector<1000x32xf32> to vector<1000xf32>
    %broadcast_in_dim3A = vector.shape_cast %reduce_sum3A_2 : vector<1000xf32> to vector<1000x1xf32>
    %add3A = arith.constant 1.000000e+00 : f32
    %add3A_3 = vector.broadcast %add3A : f32 to vector<1000x1xf32>
    %add3A_4 = arith.addf %broadcast_in_dim3A, %add3A_3 : vector<1000x1xf32>
    %rsqrt3A = math.rsqrt %add3A_4 : vector<1000x1xf32>
    %get3A_5 = arith.constant 0 : index
    %get3A_6 = arith.constant 0 : index
    %get3A_7 = vector.load %arg2[%get3A_5, %get3A_6] : memref<1000x128xf32, #tpu.memory_space<vmem>>, vector<1000x128xf32>
    %get3A_8 = arith.constant 0 : index
    %get3A_9 = arith.constant 0 : index
    %get3A_10 = vector.load %arg3[%get3A_8, %get3A_9] : memref<128x64xf32, #tpu.memory_space<vmem>>, vector<128x64xf32>
    %dot_general3A = arith.constant dense<0.000000e+00> : vector<1000x64xf32>
    %dot_general3A_11 = tpu.matmul %get3A_7, %get3A_10, %dot_general3A {dimension_numbers = #tpu.dot_dimension_numbers<[1], [0], [0], [1], [0, 0, 1, 1], [], []>, transpose_lhs_hint = false} : vector<1000x128xf32>, vector<128x64xf32>, vector<1000x64xf32> -> vector<1000x64xf32>
    %mul3A = vector.broadcast %rsqrt3A : vector<1000x1xf32> to vector<1000x64xf32>
    %mul3A_12 = arith.mulf %dot_general3A_11, %mul3A : vector<1000x64xf32>
    %swap3A = arith.constant 0 : index
    %swap3A_13 = arith.constant 0 : index
    %swap3A_14 = vector.load %arg4[%swap3A, %swap3A_13] : memref<1000x64xf32, #tpu.memory_space<vmem>>, vector<1000x64xf32>
    tpu.vector_store %arg4[%swap3A, %swap3A_13], %mul3A_12 {strides = array<i32>} : memref<1000x64xf32, #tpu.memory_space<vmem>>, vector<1000x64xf32>,
    %swap3A_15 = arith.constant 0 : index
    %swap3A_16 = arith.constant 0 : index
    %swap3A_17 = vector.load %arg5[%swap3A_15, %swap3A_16] : memref<1000x1xf32, #tpu.memory_space<vmem>>, vector<1000x1xf32>
    tpu.vector_store %arg5[%swap3A_15, %swap3A_16], %rsqrt3A {strides = array<i32>} : memref<1000x1xf32, #tpu.memory_space<vmem>>, vector<1000x1xf32>,
    return
  }
  func.func @transform_0(%arg0: i32) -> (i32, i32) {
    %c0_i32 = arith.constant 0 : i32
    %c0_i32_0 = arith.constant 0 : i32
    return %arg0, %c0_i32 : i32, i32
  }
  func.func @transform_1(%arg0: i32) -> (i32, i32) {
    %c0_i32 = arith.constant 0 : i32
    %c0_i32_0 = arith.constant 0 : i32
    return %arg0, %c0_i32 : i32, i32
  }
  func.func @transform_2(%arg0: i32) -> (i32, i32) {
    %c0_i32 = arith.constant 0 : i32
    %c0_i32_0 = arith.constant 0 : i32
    %c0_i32_1 = arith.constant 0 : i32
    return %c0_i32, %c0_i32_0 : i32, i32
  }
  func.func @transform_3(%arg0: i32) -> (i32, i32) {
    %c0_i32 = arith.constant 0 : i32
    %c0_i32_0 = arith.constant 0 : i32
    return %arg0, %c0_i32 : i32, i32
  }
  func.func @transform_4(%arg0: i32) -> (i32, i32) {
    %c0_i32 = arith.constant 0 : i32
    %c0_i32_0 = arith.constant 0 : i32
    return %arg0, %c0_i32 : i32, i32
  }
}

module attributes {stable_mosaic.version = 14 : i64} {
  func.func @_head_body(%arg0: i32, %arg1: memref<1000x1xf32, #tpu.memory_space<vmem>>, %arg2: memref<2x1000x64xf32, #tpu.memory_space<vmem>>, %arg3: memref<1000x64xf32, #tpu.memory_space<vmem>>, %arg4: memref<1x64xf32, #tpu.memory_space<vmem>>, %arg5: memref<64x128xf32, #tpu.memory_space<vmem>>, %arg6: memref<1x128xf32, #tpu.memory_space<vmem>>, %arg7: memref<1000x128xf32, #tpu.memory_space<vmem>>) attributes {dimension_semantics = [#tpu.dimension_semantics<arbitrary>], iteration_bounds = array<i64: 10>, scalar_prefetch = 0 : i64, scratch_operands = 0 : i64, tpu.core_type = #tpu.core_type<tc>, window_params = [{transform_indices = @transform_0, window_bounds = array<i64: 1000, 1>}, {transform_indices = @transform_1, window_bounds = array<i64: 2, 1000, 64>}, {transform_indices = @transform_2, window_bounds = array<i64: 1000, 64>}, {pipeline_mode = #tpu.pipeline_mode<synchronous>, transform_indices = @transform_3, window_bounds = array<i64: 1, 64>}, {pipeline_mode = #tpu.pipeline_mode<synchronous>, transform_indices = @transform_4, window_bounds = array<i64: 64, 128>}, {pipeline_mode = #tpu.pipeline_mode<synchronous>, transform_indices = @transform_5, window_bounds = array<i64: 1, 128>}, {transform_indices = @transform_6, window_bounds = array<i64: 1000, 128>}]} {
    %get3A = arith.constant 0 : index
    %get3A_0 = arith.constant 0 : index
    %get3A_1 = vector.load %arg1[%get3A, %get3A_0] : memref<1000x1xf32, #tpu.memory_space<vmem>>, vector<1000x1xf32>
    %get3A_2 = arith.constant 0 : index
    %get3A_3 = arith.constant 0 : index
    %get3A_4 = arith.constant 0 : index
    %get3A_5 = vector.load %arg2[%get3A_2, %get3A_3, %get3A_4] : memref<2x1000x64xf32, #tpu.memory_space<vmem>>, vector<1x1000x64xf32>
    %get3A_6 = vector.shape_cast %get3A_5 : vector<1x1000x64xf32> to vector<1000x64xf32>
    %get3A_7 = arith.constant 1 : index
    %get3A_8 = arith.constant 0 : index
    %get3A_9 = arith.constant 0 : index
    %get3A_10 = vector.load %arg2[%get3A_7, %get3A_8, %get3A_9] : memref<2x1000x64xf32, #tpu.memory_space<vmem>>, vector<1x1000x64xf32>
    %get3A_11 = vector.shape_cast %get3A_10 : vector<1x1000x64xf32> to vector<1000x64xf32>
    %add3A = arith.addf %get3A_6, %get3A_11 : vector<1000x64xf32>
    %get3A_12 = arith.constant 0 : index
    %get3A_13 = arith.constant 0 : index
    %get3A_14 = vector.load %arg3[%get3A_12, %get3A_13] : memref<1000x64xf32, #tpu.memory_space<vmem>>, vector<1000x64xf32>
    %add3A_15 = arith.addf %add3A, %get3A_14 : vector<1000x64xf32>
    %mul3A = vector.broadcast %get3A_1 : vector<1000x1xf32> to vector<1000x64xf32>
    %mul3A_16 = arith.mulf %add3A_15, %mul3A : vector<1000x64xf32>
    %get3A_17 = arith.constant 0 : index
    %get3A_18 = arith.constant 0 : index
    %get3A_19 = vector.load %arg4[%get3A_17, %get3A_18] : memref<1x64xf32, #tpu.memory_space<vmem>>, vector<1x64xf32>
    %add3A_20 = vector.broadcast %get3A_19 : vector<1x64xf32> to vector<1000x64xf32>
    %add3A_21 = arith.addf %mul3A_16, %add3A_20 : vector<1000x64xf32>
    %max3A = arith.constant 0.000000e+00 : f32
    %max3A_22 = vector.broadcast %max3A : f32 to vector<1000x64xf32>
    %max3A_23 = arith.maximumf %add3A_21, %max3A_22 : vector<1000x64xf32>
    %get3A_24 = arith.constant 0 : index
    %get3A_25 = arith.constant 0 : index
    %get3A_26 = vector.load %arg5[%get3A_24, %get3A_25] : memref<64x128xf32, #tpu.memory_space<vmem>>, vector<64x128xf32>
    %dot_general3A = arith.constant dense<0.000000e+00> : vector<1000x128xf32>
    %dot_general3A_27 = tpu.matmul %max3A_23, %get3A_26, %dot_general3A {dimension_numbers = #tpu.dot_dimension_numbers<[1], [0], [0], [1], [0, 0, 1, 1], [], []>, transpose_lhs_hint = false} : vector<1000x64xf32>, vector<64x128xf32>, vector<1000x128xf32> -> vector<1000x128xf32>
    %get3A_28 = arith.constant 0 : index
    %get3A_29 = arith.constant 0 : index
    %get3A_30 = vector.load %arg6[%get3A_28, %get3A_29] : memref<1x128xf32, #tpu.memory_space<vmem>>, vector<1x128xf32>
    %add3A_31 = vector.broadcast %get3A_30 : vector<1x128xf32> to vector<1000x128xf32>
    %add3A_32 = arith.addf %dot_general3A_27, %add3A_31 : vector<1000x128xf32>
    %swap3A = arith.constant 0 : index
    %swap3A_33 = arith.constant 0 : index
    %swap3A_34 = vector.load %arg7[%swap3A, %swap3A_33] : memref<1000x128xf32, #tpu.memory_space<vmem>>, vector<1000x128xf32>
    tpu.vector_store %arg7[%swap3A, %swap3A_33], %add3A_32 {strides = array<i32>} : memref<1000x128xf32, #tpu.memory_space<vmem>>, vector<1000x128xf32>,
    return
  }
  func.func @transform_0(%arg0: i32) -> (i32, i32) {
    %c0_i32 = arith.constant 0 : i32
    %c0_i32_0 = arith.constant 0 : i32
    return %arg0, %c0_i32 : i32, i32
  }
  func.func @transform_1(%arg0: i32) -> (i32, i32, i32) {
    %c0_i32 = arith.constant 0 : i32
    %c0_i32_0 = arith.constant 0 : i32
    %c0_i32_1 = arith.constant 0 : i32
    return %c0_i32, %arg0, %c0_i32_0 : i32, i32, i32
  }
  func.func @transform_2(%arg0: i32) -> (i32, i32) {
    %c0_i32 = arith.constant 0 : i32
    %c0_i32_0 = arith.constant 0 : i32
    return %arg0, %c0_i32 : i32, i32
  }
  func.func @transform_3(%arg0: i32) -> (i32, i32) {
    %c0_i32 = arith.constant 0 : i32
    %c0_i32_0 = arith.constant 0 : i32
    %c0_i32_1 = arith.constant 0 : i32
    return %c0_i32, %c0_i32_0 : i32, i32
  }
  func.func @transform_4(%arg0: i32) -> (i32, i32) {
    %c0_i32 = arith.constant 0 : i32
    %c0_i32_0 = arith.constant 0 : i32
    %c0_i32_1 = arith.constant 0 : i32
    return %c0_i32, %c0_i32_0 : i32, i32
  }
  func.func @transform_5(%arg0: i32) -> (i32, i32) {
    %c0_i32 = arith.constant 0 : i32
    %c0_i32_0 = arith.constant 0 : i32
    %c0_i32_1 = arith.constant 0 : i32
    return %c0_i32, %c0_i32_0 : i32, i32
  }
  func.func @transform_6(%arg0: i32) -> (i32, i32) {
    %c0_i32 = arith.constant 0 : i32
    %c0_i32_0 = arith.constant 0 : i32
    return %arg0, %c0_i32 : i32, i32
  }
}

</mosaic_0001>

<sc_bundles>
// kernel: kernel.6.cloned.1.call-start
scs
__scs_entry_jumppad:
0x0: {  	(pc) =	sbr.rel $0x88, $3  }
0x1: {  	(tag) =	ssettag $0x0;
	lr =	simm.s32 $0x1  }
0x2: {  	[smem:$0x3F9B] =	sst lr;
	_ =	strace $0xD0000000  }
0x3: {  	_ = 	snop  }
0x4: {  	_ = 	snop  }
0x5: {  	_ = 	snop  }
0x6: {  	_ = 	snop  }
0x7: {  	_ = 	snop  }
__scs_overlays_trampoline_lowered:
0x8: {  	[smem:$0x3FAA] =	sst s0  }
0x9: {  	[smem:$0x3FAB] =	sst s1  }
0xa: {  	[smem:$0x3FAC] =	sst s2  }
0xb: {  	[smem:$0x3FAD] =	sst s3  }
0xc: {  	[smem:$0x3FAE] =	sst s4  }
0xd: {  	[smem:$0x3FAF] =	sst s5  }
0xe: {  	[smem:$0x3FB0] =	sst s6  }
0xf: {  	[smem:$0x3FB1] =	sst s7  }
0x10: {  	[smem:$0x3FB2] =	sst s8  }
0x11: {  	[smem:$0x3FB3] =	sst s9;
	s0 =	simm.s32 @!p0 $0x0  }
0x12: {  	s1 =	sld [smem:$0x3F99];
	s0 =	simm.s32 @p0 $0x1  }
0x13: {  	[smem:$0x3FB4] =	sst s0;
	s0 =	simm.s32 @!p1 $0x0  }
0x14: {  	s2 =	sld [smem:$0x3F98];
	s0 =	simm.s32 @p1 $0x1  }
0x15: {  	[smem:$0x3FB5] =	sst s0;
	s0 =	simm.s32 @!p2 $0x0  }
0x16: {  	s3 =	sld [smem:$0x3FDB];
	s0 =	simm.s32 @p2 $0x1  }
0x17: {  	s4 =	simm.s32 $0x1BF5;
	[smem:$0x3FB7] =	sst s0  }
0x18: {  	s0 =	sld [smem:$0x3F9A];
	_ =	swait.ge [sflag:s4], $0x0  }
0x19: {  	s7 =	sld [smem:$0x3F9B]  }
0x1a: {  	s8 =	sadd.s32 $0xFFFFE003, lr  }
0x1b: {  	s9 =	sadd.s32 $0xFFFFFEF7, lr;
	s5 =	simm.s32 $0xFFFFFFFF;
	p2 =	slt.u32 s8, $0xFFFFF086  }
0x1c: {  	p1 =	slt.u32 s9, $0xF7A;
	s5 =	simm.s32 @!p2 $0x0  }
0x1d: {  	s5 =	simm.s32 @p1 $0x1;
	p0 =	seq.s32 s7, s2  }
0x1e: {  	s7 =	smul.u32 @!p0 $0xF7A, s2;
	p2 =	seq.s32 @!p0 s5, $0x0  }
0x1f: {  	s9 =	smul.u32 $0xF7A, s1;
	s8 =	simm.s32 @!p0 $0x1BF5;
	p2 =	por !p2, p0  }
0x20: {  	[sflag:s8] =	ssyncset.s32 @!p0 $0xFFFFF086;
	s6 =	sadd.s32 @!p0 s3, s7;
	s7 =	simm.s32 @!p0 $0x108  }
0x21: {  	s3 =	sadd.s32 s3, s9;
	s6 =	sadd.s32 @!p0 $0x88, s6;
	s7 =	simm.s32 @p2 $0x1082  }
0x22: {  	[simem:s7], [sflag:s8] =	dma.local @!p0 [hbm:s6], $0xF7A  }
0x23: {  	s9 =	sor.u32 $0xD0000000, s2;
	s6 =	simm.s32 $0x108;
	_ =	swait.ge @!p0 [sflag:s8], $0x0  }
0x24: {  	s3 =	sadd.s32 $0x88, s3;
	s6 =	simm.s32 @!p1 $0x1082;
	[sflag:s4] =	ssyncset.s32 $0xFFFFF086  }
0x25: {  	[simem:s6], [sflag:s4] =	dma.local [hbm:s3], $0xF7A  }
0x26: {  	[smem:$0x3F9B] =	sst s1;
	(tag) =	ssettag s2;
	_ =	strace s9  }
0x27: {  	s1 =	sld [smem:$0x3FAB]  }
0x28: {  	s2 =	sld [smem:$0x3FAC]  }
0x29: {  	s4 =	sld [smem:$0x3FAE]  }
0x2a: {  	p0 =	seq.s32 s5, $0x0;
	s5 =	sld [smem:$0x3FAF]  }
0x2b: {  	s6 =	sld [smem:$0x3FB0]  }
0x2c: {  	s7 =	sld [smem:$0x3FB1]  }
0x2d: {  	s3 =	simm.s32 $0x108;
	s8 =	sld [smem:$0x3FB2]  }
0x2e: {  	s3 =	simm.s32 @!p0 $0x1082;
	s9 =	sld [smem:$0x3FB3]  }
0x2f: {  	lr =	sadd.s32 s0, s3;
	s0 =	sld [smem:$0x3FAA]  }
0x30: {  	s3 =	sld [smem:$0x3FAD]  }
0x31: {  	[smem:$0x3FB6] =	sst s10  }
0x32: {  	s10 =	sld [smem:$0x3FB4];
	_ =	sdelay $0x3  }
0x33: {  	p0 =	seq.s32 s10, $0x1;
	s10 =	sld [smem:$0x3FB6];
	_ =	sdelay $0x3  }
0x34: {  	[smem:$0x3FB6] =	sst s10  }
0x35: {  	s10 =	sld [smem:$0x3FB5];
	_ =	sdelay $0x3  }
0x36: {  	p1 =	seq.s32 s10, $0x1;
	s10 =	sld [smem:$0x3FB6];
	_ =	sdelay $0x3  }
0x37: {  	[smem:$0x3FB6] =	sst s10  }
0x38: {  	s10 =	sld [smem:$0x3FB7]  }
0x39: {  	_ = 	snop;
	(pc) =	sbr.ind lr, $3  }
0x3a: {  	_ = 	snop  }
0x3b: {  	_ = 	snop  }
0x3c: {  	p2 =	seq.s32 s10, $0x1;
	s10 =	sld [smem:$0x3FB6]  }
0x3d: {  	_ =	shalt  }
0x3e: {  	_ =	shalt  }
0x3f: {  	_ =	shalt  }
0x40: {  	_ =	shalt  }
0x41: {  	_ =	shalt  }
0x42: {  	_ =	shalt  }
0x43: {  	_ =	shalt  }
0x44: {  	_ =	shalt  }
0x45: {  	_ =	shalt  }
0x46: {  	_ =	shalt  }
0x47: {  	_ =	shalt  }
0x48: {  	_ =	shalt  }
0x49: {  	_ =	shalt  }
0x4a: {  	_ =	shalt  }
0x4b: {  	_ =	shalt  }
0x4c: {  	_ =	shalt  }
0x4d: {  	_ =	shalt  }
0x4e: {  	_ =	shalt  }
0x4f: {  	_ =	shalt  }
0x50: {  	_ =	shalt  }
0x51: {  	_ =	shalt  }
0x52: {  	_ =	shalt  }
0x53: {  	_ =	shalt  }
0x54: {  	_ =	shalt  }
0x55: {  	_ =	shalt  }
0x56: {  	_ =	shalt  }
0x57: {  	_ =	shalt  }
0x58: {  	_ =	shalt  }
0x59: {  	_ =	shalt  }
0x5a: {  	_ =	shalt  }
0x5b: {  	_ =	shalt  }
0x5c: {  	_ =	shalt  }
0x5d: {  	_ =	shalt  }
0x5e: {  	_ =	shalt  }
0x5f: {  	_ =	shalt  }
0x60: {  	_ =	shalt  }
0x61: {  	_ =	shalt  }
0x62: {  	_ =	shalt  }
0x63: {  	_ =	shalt  }
0x64: {  	_ =	shalt  }
0x65: {  	_ =	shalt  }
0x66: {  	_ =	shalt  }
0x67: {  	_ =	shalt  }
0x68: {  	_ =	shalt  }
0x69: {  	_ =	shalt  }
0x6a: {  	_ =	shalt  }
0x6b: {  	_ =	shalt  }
0x6c: {  	_ =	shalt  }
0x6d: {  	_ =	shalt  }
0x6e: {  	_ =	shalt  }
0x6f: {  	_ =	shalt  }
0x70: {  	_ =	shalt  }
0x71: {  	_ =	shalt  }
0x72: {  	_ =	shalt  }
0x73: {  	_ =	shalt  }
0x74: {  	_ =	shalt  }
0x75: {  	_ =	shalt  }
0x76: {  	_ =	shalt  }
0x77: {  	_ =	shalt  }
0x78: {  	_ =	shalt  }
0x79: {  	_ =	shalt  }
0x7a: {  	_ =	shalt  }
0x7b: {  	_ =	shalt  }
0x7c: {  	_ =	shalt  }
0x7d: {  	_ =	shalt  }
0x7e: {  	_ =	shalt  }
0x7f: {  	_ =	shalt  }
0x80: {  	_ =	shalt  }
0x81: {  	_ =	shalt  }
0x82: {  	_ =	shalt  }
0x83: {  	_ =	shalt  }
0x84: {  	_ =	shalt  }
0x85: {  	_ =	shalt  }
0x86: {  	_ =	shalt  }
0x87: {  	_ =	shalt  }
.Lfunc_end0:
.L_simem_size_0:
called_computation_lowered:
.L_overlay_start_0:
0x88: {  	s2 =	sld [smem:$0x3FD9]  }
0x89: {  	s3 =	sld [smem:$0x3FFE];
	_ =	sdelay $0x1  }
0x8a: {  	s1 =	srdreg.scid  }
0x8b: {  	s0 =	sand.u32 $0x1, s1  }
0x8c: {  	s16 =	sshll.u32 s0, $0xA;
	s2 =	sadd.s32 s3, s2  }
0x8d: {  	s2 =	sadd.s32 s2, s16  }
0x8e: {  	[smem:$0x3FC2] =	sst s2  }
0x8f: {  	_ = 	snop  }
0x90: {  	(tm) =	ssettm $0x1  }
0x91: {  	s17 =	sld [smem:$0x3FFB];
	_ =	sdelay $0x3  }
0x92: {  	_ =	strace s17  }
0x93: {  	s2 =	sld [smem:$0x3FFC];
	_ =	sdelay $0x3  }
0x94: {  	_ =	strace s2  }
0x95: {  	s2 =	sld [smem:$0x3FFD];
	_ =	sdelay $0x3  }
0x96: {  	_ =	strace s2  }
0x97: {  	_ =	strace $0x8FFFFFFF  }
0x98: {  	s18 =	sld [smem:$0x3FDB];
	_ =	sdelay $0x1  }
0x99: {  	s19 =	simm.s32 $_scs_section_size  }
0x9a: {  	s4 =	simm.s32 $_size__tile_overlayer_lowered;
	s5 =	simm.s32 $_tile_overlayer_lowered  }
0x9b: {  	s22 =	simm.s32 $0x1BFF;
	s21 =	sshll.u32 s5, $0x1;
	s2 =	sadd.s32 s19, s18  }
0x9c: {  	s6 =	simm.s32 $0x0;
	s20 =	sshll.u32 s4, $0x1;
	s4 =	sadd.s32 s21, s2  }
0x9d: {  	[timem:s6], [sflag:s22] =	dma.local [hbm:s4], s20  }
0x9e: {  	_ =	swait.ge [sflag:s22], s20  }
0x9f: {  	s3 =	ssub.s32 $0x0, s20;
	[sflag:s22] =	ssyncset.done $0x0  }
0xa0: {  	[sflag:s22] =	ssyncadd.s32 s3;
	_ =	sdelay $0x1  }
0xa1: {  	s23 =	simm.s32 $0x1B8B  }
0xa2: {  	_ =	swait.ge [sflag:s23], $0x1  }
0xa3: {  	[sflag:s23] =	ssyncset.done $0x0  }
0xa4: {  	s25 =	simm.s32 $0x1B8E;
	s24 =	sld [smem:$0x3FFE];
	[sflag:s23] =	ssyncadd.s32 $0xFFFFFFFF  }
0xa5: {  	s26 =	simm.s32 $execute0_lowered;
	[smem:$0x3FD2] =	sst s25  }
0xa6: {  	s4 =	sshll.u32 s26, $0x1;
	_ =	strace $0x80000046;
	[dreg:$0x1] =	wrdreg $0xFFFFFFFF  }
0xa7: {  	s28 =	simm.s32 $_size_execute0_lowered;
	s2 =	sadd.s32 s2, s4;
	[dreg:$0x0] =	wrdreg $0x0  }
0xa8: {  	s4 =	sshll.u32 s28, $0x1;
	[dreg:$0x2] =	wrdreg s2  }
0xa9: {  	[dreg:$0x3] =	wrdreg s4  }
0xaa: {  	[dreg:$0x4] =	wrdreg $0xC0  }
0xab: {  	_ =	task [dreg:s6], $0x5FFFF  }
0xac: {  	[dreg:$0x1] =	wrdreg $0xFFFFFFFF  }
0xad: {  	[dreg:$0x0] =	wrdreg $0x60  }
0xae: {  	[dreg:$0x2] =	wrdreg s24  }
0xaf: {  	[dreg:$0x3] =	wrdreg $0x9  }
0xb0: {  	_ =	task.clear_ibuf [dreg:s6], $0x4FFFF;
	_ =	strace $0x90000046  }
0xb1: {  	s29 =	simm.s32 $0x9;
	_ =	strace $0x80000048  }
0xb2: {  	_ =	swait.ge [sflag:s29], $0x1  }
0xb3: {  	[sflag:s29] =	ssyncadd.s32 $0xFFFFFFFF  }
0xb4: {  	_ =	strace $0x90000048  }
0xb5: {  	_ =	sfence  }
0xb6: {  	s30 =	sld [smem:$0x0];
	_ =	sdelay $0x2  }
0xb7: {  	s31 =	sshll.u32 s1, $0xD;
	s1 =	sshrl.u32 s1, $0x2  }
0xb8: {  	s3 =	sand.u32 $0x4000, s31;
	s1 =	sadd.s32 s1, s30  }
0xb9: {  	s0 =	sor.u32 s3, s0;
	s1 =	sshll.u32 s1, $0x11  }
0xba: {  	s0 =	sor.u32 s1, s0  }
0xbb: {  	s0 =	sadd.s32 $0x8F2B, s0  }
0xbc: {  	[sflag:s0] =	ssyncadd.remote.s32 $0x1  }
0xbd: {  	_ =	sfence.sel $0xFFFF  }
0xbe: {  	[dreg:$0x0] =	wrdreg $0xFFFFFFFF;
	(pc) =	sbr.abs _section_cstart, $3  }
0xbf: {  	[dreg:$0x1] =	wrdreg $0xFFFFFFFF  }
0xc0: {  	_ =	task.clear_ibuf [dreg:s6], $0x2FFFF;
	_ =	strace $0x9FFFFFFF  }
0xc1: {  	(tm) =	ssettm $0x7FFFFFFF  }
tec
execute0_lowered:
.L_overlay_start_1:
0x0: {  	(tag) =	ssettag $0x1  }
0x1: {  	s1 =	srdreg.scid  }
0x2: {  	s0 =	stileid.u32;
	s4 =	rddreg [dreg:$0x0];
	s2 =	simm.s32 $0x0  }
0x3: {  	s9 =	simm.s32 $0x0;
	s3 =	sand.u32 $0x1, s1;
	s5 =	sshll.u32 s0, $0x1  }
0x4: {  	s1 =	rddreg [dreg:$0x1];
	s5 =	sor.u32 s3, s5;
	s7 =	ssub.s32 $0x2, s3  }
0x5: {  	[smem:$0x7FF] =	sst s2;
	s6 =	smul.u32 $0x500, s5;
	s8 =	sshrl.u32 s7, $0x1  }
0x6: {  	_ =	strace $0x80000047;
	s3 =	sadd.s32 $0x1200, s4;
	s7 =	ssub.s32 s7, s8  }
0x7: {  	s8 =	simm.s32 $0x800;
	s6 =	sadd.s32 s6, s4;
	s4 =	smul.u32 $0x2800, s5  }
0x8: {  	v0 =	vimm.f32 $0.0e+00;
	v1 =	vimm.f32 $1.000000000e+00;
	s5 =	sadd.s32 $0xB200, s6;
	s6 =	smax.u32 s7, $0x1;
	s7 =	simm.s32 $0x1  }
.LBB2_1:
0x9: {  	s10 =	simm.s32 $0x40;
	s11 =	simm.s32 $0x0  }
.LBB2_2:
0xa: {  	p0 =	sne.s32 s10, $0x9FC0;
	[tilespmem:s11+$0x800] =	vst v0;
	s11 =	smov.u32 s10;
	s10 =	sadd.s32 $0x40, s10  }
.Ltmp0:
0xb: {  	(pc) =	sbr.rel @p0 .LBB2_2-.Ltmp0, $2  }
0xc: {  	_ =	sdelay $0x2  }
0xd: {  	s11 =	sshra.s32 s11, $0x2  }
0xe: {  	[tilespmem:s11+$0x800] =	vst v0;
	s10 =	simm.s32 $0x0;
	s11 =	simm.s32 $0x0  }
.LBB2_4:
0xf: {  	s12 =	sshll.u32 s11, $0xB  }
0x10: {  	s12 =	sadd.s32 s4, s12  }
0x11: {  	s12 =	sshrl.u32 s12, $0x3  }
0x12: {  	s12 =	sadd.s32 s3, s12  }
0x13: {  	[tilespmem:s10], [sflag:$0x1] =	stream.linear.gather [hbm4b:s12+s10], $0x800, $0x38;
	[tilespmem:$0x3000] =	vst v63  }
0x14: {  	_ =	swait.ge [sflag:s7], $0x800  }
0x15: {  	[sflag:s7] =	ssyncset.done $0x0  }
0x16: {  	s12 =	simm.s32 $0x0;
	[sflag:s7] =	ssyncadd.s32 $0xFFFFF800  }
.LBB2_5:
0x17: {  	s13 =	sshra.s32 s12, $0x2  }
0x18: {  	v2 =	vld [tilespmem:s13+$0x0];
	_ =	sdelay $0x7  }
0x19: {  	[tilespmem:v2+s8+$0x0] =	vst.idx.add.f32.msk $0xffff, v1  }
0x1a: {  	v2 =	vld [tilespmem:s13+$0x10];
	_ =	sdelay $0x7  }
0x1b: {  	[tilespmem:v2+s8+$0x0] =	vst.idx.add.f32.msk $0xffff, v1  }
0x1c: {  	v2 =	vld [tilespmem:s13+$0x20];
	_ =	sdelay $0x7  }
0x1d: {  	[tilespmem:v2+s8+$0x0] =	vst.idx.add.f32.msk $0xffff, v1  }
0x1e: {  	v2 =	vld [tilespmem:s13+$0x30];
	_ =	sdelay $0x7  }
0x1f: {  	[tilespmem:v2+s8+$0x0] =	vst.idx.add.f32.msk $0xffff, v1  }
0x20: {  	v2 =	vld [tilespmem:s13+$0x40];
	_ =	sdelay $0x7  }
0x21: {  	[tilespmem:v2+s8+$0x0] =	vst.idx.add.f32.msk $0xffff, v1  }
0x22: {  	v2 =	vld [tilespmem:s13+$0x50];
	_ =	sdelay $0x7  }
0x23: {  	[tilespmem:v2+s8+$0x0] =	vst.idx.add.f32.msk $0xffff, v1  }
0x24: {  	v2 =	vld [tilespmem:s13+$0x60];
	_ =	sdelay $0x7  }
0x25: {  	[tilespmem:v2+s8+$0x0] =	vst.idx.add.f32.msk $0xffff, v1  }
0x26: {  	v2 =	vld [tilespmem:s13+$0x70];
	_ =	sdelay $0x2  }
0x27: {  	p0 =	sne.s32 s12, $0x1E00  }
.Ltmp1:
0x28: {  	_ = 	snop;
	(pc) =	sbr.rel @p0 .LBB2_5-.Ltmp1, $2  }
0x29: {  	_ =	sdelay $0x2  }
0x2a: {  	s12 =	sadd.s32 $0x200, s12;
	[tilespmem:v2+s8+$0x0] =	vst.idx.add.f32.msk $0xffff, v1  }
0x2b: {  	s11 =	sadd.s32 $0x1, s11  }
0x2c: {  	p0 =	sne.s32 s11, $0x5  }
.Ltmp2:
0x2d: {  	_ = 	snop;
	(pc) =	sbr.rel @p0 .LBB2_4-.Ltmp2, $1  }
0x2e: {  	_ =	sdelay $0x3  }
0x2f: {  	s9 =	sadd.s32 $0x1, s9  }
0x30: {  	p0 =	sne.s32 s9, s6  }
.Ltmp3:
0x31: {  	_ = 	snop;
	(pc) =	sbr.rel @p0 .LBB2_1-.Ltmp3, $4  }
0x32: {  	[hbm4b:s5+s2] =	stream.linear.scatter [tilespmem:s8], [sflag:$0x1], $0x2800, $0x38;
	[tilespmem:$0x3000] =	vst v63  }
0x33: {  	_ =	swait.ge [sflag:s7], $0x2800  }
0x34: {  	[sflag:s7] =	ssyncset.done $0x0  }
0x35: {  	[sflag:s7] =	ssyncadd.s32 $0xFFFFD800  }
0x36: {  	_ =	sfence.sel $0x180000  }
0x37: {  	[bflag:$0x0] =	sbarrier.arrive $0xFFFF  }
0x38: {  	p0 =	sne.s32 s0, $0x0;
	_ =	strace $0x90000047  }
0x39: {  	s0 =	sadd.s32 @!p0 $0x100000, s1;
	[bflag:$0x2] =	sbarrier.arrive $0xFFFF  }
0x3a: {  	[sflag:s0] =	ssyncadd.tile.s32 @!p0 $0x1;
	_ =	shalt  }
.Lfunc_end2:
_tile_overlayer_lowered:
.L_overlay_start_2:
0x3b: {  	(tag) =	ssettag $0x2  }
0x3c: {  	s0 =	rddreg [dreg:$0x0];
	s2 =	stileid.u32  }
0x3d: {  	s1 =	rddreg [dreg:$0x1];
	p0 =	sne.s32 s2, $0x0  }
0x3e: {  	s3 =	rddreg [dreg:$0x2];
	[bflag:$0x3] =	sbarrier.arrive $0xFFFF;
	s2 =	simm.s32 @!p0 $0x1C01  }
0x3f: {  	[timem:s3], [sflag:s2] =	dma.local @!p0 [hbm:s0], s1  }
0x40: {  	s0 =	simm.s32 @!p0 $0x1  }
0x41: {  	_ =	swait.ge @!p0 [sflag:s0], s1  }
0x42: {  	s1 =	ssub.s32 @!p0 $0x0, s1;
	[sflag:s0] =	ssyncset.done @!p0 $0x0  }
0x43: {  	[sflag:s0] =	ssyncadd.s32 @!p0 s1  }
0x44: {  	[bflag:$0x3] =	sbarrier.arrive $0xFFFF  }
0x45: {  	_ =	shalt  }

// kernel: kernel.9.cloned.1.call-start
scs
__scs_entry_jumppad:
0x0: {  	(pc) =	sbr.rel $0x88, $3  }
0x1: {  	(tag) =	ssettag $0x0;
	lr =	simm.s32 $0x1  }
0x2: {  	[smem:$0x3F9B] =	sst lr;
	_ =	strace $0xD0000000  }
0x3: {  	_ = 	snop  }
0x4: {  	_ = 	snop  }
0x5: {  	_ = 	snop  }
0x6: {  	_ = 	snop  }
0x7: {  	_ = 	snop  }
__scs_overlays_trampoline_lowered:
0x8: {  	[smem:$0x3FAA] =	sst s0  }
0x9: {  	[smem:$0x3FAB] =	sst s1  }
0xa: {  	[smem:$0x3FAC] =	sst s2  }
0xb: {  	[smem:$0x3FAD] =	sst s3  }
0xc: {  	[smem:$0x3FAE] =	sst s4  }
0xd: {  	[smem:$0x3FAF] =	sst s5  }
0xe: {  	[smem:$0x3FB0] =	sst s6  }
0xf: {  	[smem:$0x3FB1] =	sst s7  }
0x10: {  	[smem:$0x3FB2] =	sst s8  }
0x11: {  	[smem:$0x3FB3] =	sst s9;
	s0 =	simm.s32 @!p0 $0x0  }
0x12: {  	s1 =	sld [smem:$0x3F99];
	s0 =	simm.s32 @p0 $0x1  }
0x13: {  	[smem:$0x3FB4] =	sst s0;
	s0 =	simm.s32 @!p1 $0x0  }
0x14: {  	s2 =	sld [smem:$0x3F98];
	s0 =	simm.s32 @p1 $0x1  }
0x15: {  	[smem:$0x3FB5] =	sst s0;
	s0 =	simm.s32 @!p2 $0x0  }
0x16: {  	s3 =	sld [smem:$0x3FDB];
	s0 =	simm.s32 @p2 $0x1  }
0x17: {  	s4 =	simm.s32 $0x1BF5;
	[smem:$0x3FB7] =	sst s0  }
0x18: {  	s0 =	sld [smem:$0x3F9A];
	_ =	swait.ge [sflag:s4], $0x0  }
0x19: {  	s7 =	sld [smem:$0x3F9B]  }
0x1a: {  	s8 =	sadd.s32 $0xFFFFE003, lr  }
0x1b: {  	s9 =	sadd.s32 $0xFFFFFEF7, lr;
	s5 =	simm.s32 $0xFFFFFFFF;
	p2 =	slt.u32 s8, $0xFFFFF086  }
0x1c: {  	p1 =	slt.u32 s9, $0xF7A;
	s5 =	simm.s32 @!p2 $0x0  }
0x1d: {  	s5 =	simm.s32 @p1 $0x1;
	p0 =	seq.s32 s7, s2  }
0x1e: {  	s7 =	smul.u32 @!p0 $0xF7A, s2;
	p2 =	seq.s32 @!p0 s5, $0x0  }
0x1f: {  	s9 =	smul.u32 $0xF7A, s1;
	s8 =	simm.s32 @!p0 $0x1BF5;
	p2 =	por !p2, p0  }
0x20: {  	[sflag:s8] =	ssyncset.s32 @!p0 $0xFFFFF086;
	s6 =	sadd.s32 @!p0 s3, s7;
	s7 =	simm.s32 @!p0 $0x108  }
0x21: {  	s3 =	sadd.s32 s3, s9;
	s6 =	sadd.s32 @!p0 $0x88, s6;
	s7 =	simm.s32 @p2 $0x1082  }
0x22: {  	[simem:s7], [sflag:s8] =	dma.local @!p0 [hbm:s6], $0xF7A  }
0x23: {  	s9 =	sor.u32 $0xD0000000, s2;
	s6 =	simm.s32 $0x108;
	_ =	swait.ge @!p0 [sflag:s8], $0x0  }
0x24: {  	s3 =	sadd.s32 $0x88, s3;
	s6 =	simm.s32 @!p1 $0x1082;
	[sflag:s4] =	ssyncset.s32 $0xFFFFF086  }
0x25: {  	[simem:s6], [sflag:s4] =	dma.local [hbm:s3], $0xF7A  }
0x26: {  	[smem:$0x3F9B] =	sst s1;
	(tag) =	ssettag s2;
	_ =	strace s9  }
0x27: {  	s1 =	sld [smem:$0x3FAB]  }
0x28: {  	s2 =	sld [smem:$0x3FAC]  }
0x29: {  	s4 =	sld [smem:$0x3FAE]  }
0x2a: {  	p0 =	seq.s32 s5, $0x0;
	s5 =	sld [smem:$0x3FAF]  }
0x2b: {  	s6 =	sld [smem:$0x3FB0]  }
0x2c: {  	s7 =	sld [smem:$0x3FB1]  }
0x2d: {  	s3 =	simm.s32 $0x108;
	s8 =	sld [smem:$0x3FB2]  }
0x2e: {  	s3 =	simm.s32 @!p0 $0x1082;
	s9 =	sld [smem:$0x3FB3]  }
0x2f: {  	lr =	sadd.s32 s0, s3;
	s0 =	sld [smem:$0x3FAA]  }
0x30: {  	s3 =	sld [smem:$0x3FAD]  }
0x31: {  	[smem:$0x3FB6] =	sst s10  }
0x32: {  	s10 =	sld [smem:$0x3FB4];
	_ =	sdelay $0x3  }
0x33: {  	p0 =	seq.s32 s10, $0x1;
	s10 =	sld [smem:$0x3FB6];
	_ =	sdelay $0x3  }
0x34: {  	[smem:$0x3FB6] =	sst s10  }
0x35: {  	s10 =	sld [smem:$0x3FB5];
	_ =	sdelay $0x3  }
0x36: {  	p1 =	seq.s32 s10, $0x1;
	s10 =	sld [smem:$0x3FB6];
	_ =	sdelay $0x3  }
0x37: {  	[smem:$0x3FB6] =	sst s10  }
0x38: {  	s10 =	sld [smem:$0x3FB7]  }
0x39: {  	_ = 	snop;
	(pc) =	sbr.ind lr, $3  }
0x3a: {  	_ = 	snop  }
0x3b: {  	_ = 	snop  }
0x3c: {  	p2 =	seq.s32 s10, $0x1;
	s10 =	sld [smem:$0x3FB6]  }
0x3d: {  	_ =	shalt  }
0x3e: {  	_ =	shalt  }
0x3f: {  	_ =	shalt  }
0x40: {  	_ =	shalt  }
0x41: {  	_ =	shalt  }
0x42: {  	_ =	shalt  }
0x43: {  	_ =	shalt  }
0x44: {  	_ =	shalt  }
0x45: {  	_ =	shalt  }
0x46: {  	_ =	shalt  }
0x47: {  	_ =	shalt  }
0x48: {  	_ =	shalt  }
0x49: {  	_ =	shalt  }
0x4a: {  	_ =	shalt  }
0x4b: {  	_ =	shalt  }
0x4c: {  	_ =	shalt  }
0x4d: {  	_ =	shalt  }
0x4e: {  	_ =	shalt  }
0x4f: {  	_ =	shalt  }
0x50: {  	_ =	shalt  }
0x51: {  	_ =	shalt  }
0x52: {  	_ =	shalt  }
0x53: {  	_ =	shalt  }
0x54: {  	_ =	shalt  }
0x55: {  	_ =	shalt  }
0x56: {  	_ =	shalt  }
0x57: {  	_ =	shalt  }
0x58: {  	_ =	shalt  }
0x59: {  	_ =	shalt  }
0x5a: {  	_ =	shalt  }
0x5b: {  	_ =	shalt  }
0x5c: {  	_ =	shalt  }
0x5d: {  	_ =	shalt  }
0x5e: {  	_ =	shalt  }
0x5f: {  	_ =	shalt  }
0x60: {  	_ =	shalt  }
0x61: {  	_ =	shalt  }
0x62: {  	_ =	shalt  }
0x63: {  	_ =	shalt  }
0x64: {  	_ =	shalt  }
0x65: {  	_ =	shalt  }
0x66: {  	_ =	shalt  }
0x67: {  	_ =	shalt  }
0x68: {  	_ =	shalt  }
0x69: {  	_ =	shalt  }
0x6a: {  	_ =	shalt  }
0x6b: {  	_ =	shalt  }
0x6c: {  	_ =	shalt  }
0x6d: {  	_ =	shalt  }
0x6e: {  	_ =	shalt  }
0x6f: {  	_ =	shalt  }
0x70: {  	_ =	shalt  }
0x71: {  	_ =	shalt  }
0x72: {  	_ =	shalt  }
0x73: {  	_ =	shalt  }
0x74: {  	_ =	shalt  }
0x75: {  	_ =	shalt  }
0x76: {  	_ =	shalt  }
0x77: {  	_ =	shalt  }
0x78: {  	_ =	shalt  }
0x79: {  	_ =	shalt  }
0x7a: {  	_ =	shalt  }
0x7b: {  	_ =	shalt  }
0x7c: {  	_ =	shalt  }
0x7d: {  	_ =	shalt  }
0x7e: {  	_ =	shalt  }
0x7f: {  	_ =	shalt  }
0x80: {  	_ =	shalt  }
0x81: {  	_ =	shalt  }
0x82: {  	_ =	shalt  }
0x83: {  	_ =	shalt  }
0x84: {  	_ =	shalt  }
0x85: {  	_ =	shalt  }
0x86: {  	_ =	shalt  }
0x87: {  	_ =	shalt  }
.Lfunc_end0:
.L_simem_size_0:
called_computation.1_lowered:
.L_overlay_start_0:
0x88: {  	s2 =	sld [smem:$0x3FD9]  }
0x89: {  	s3 =	sld [smem:$0x3FFE];
	_ =	sdelay $0x1  }
0x8a: {  	s1 =	srdreg.scid  }
0x8b: {  	s0 =	sand.u32 $0x1, s1  }
0x8c: {  	s16 =	sshll.u32 s0, $0xA;
	s2 =	sadd.s32 s3, s2  }
0x8d: {  	s2 =	sadd.s32 s2, s16  }
0x8e: {  	[smem:$0x3FC2] =	sst s2  }
0x8f: {  	_ = 	snop  }
0x90: {  	(tm) =	ssettm $0x1  }
0x91: {  	s17 =	sld [smem:$0x3FFB];
	_ =	sdelay $0x3  }
0x92: {  	_ =	strace s17  }
0x93: {  	s2 =	sld [smem:$0x3FFC];
	_ =	sdelay $0x3  }
0x94: {  	_ =	strace s2  }
0x95: {  	s2 =	sld [smem:$0x3FFD];
	_ =	sdelay $0x3  }
0x96: {  	_ =	strace s2  }
0x97: {  	_ =	strace $0x8FFFFFFF  }
0x98: {  	s18 =	sld [smem:$0x3FDB];
	_ =	sdelay $0x1  }
0x99: {  	s19 =	simm.s32 $_scs_section_size  }
0x9a: {  	s4 =	simm.s32 $_size__tile_overlayer_lowered;
	s5 =	simm.s32 $_tile_overlayer_lowered  }
0x9b: {  	s22 =	simm.s32 $0x1BFF;
	s21 =	sshll.u32 s5, $0x1;
	s2 =	sadd.s32 s19, s18  }
0x9c: {  	s6 =	simm.s32 $0x0;
	s20 =	sshll.u32 s4, $0x1;
	s4 =	sadd.s32 s21, s2  }
0x9d: {  	[timem:s6], [sflag:s22] =	dma.local [hbm:s4], s20  }
0x9e: {  	_ =	swait.ge [sflag:s22], s20  }
0x9f: {  	s3 =	ssub.s32 $0x0, s20;
	[sflag:s22] =	ssyncset.done $0x0  }
0xa0: {  	[sflag:s22] =	ssyncadd.s32 s3;
	_ =	sdelay $0x1  }
0xa1: {  	s23 =	simm.s32 $0x1B8B  }
0xa2: {  	_ =	swait.ge [sflag:s23], $0x1  }
0xa3: {  	[sflag:s23] =	ssyncset.done $0x0  }
0xa4: {  	s25 =	simm.s32 $0x1B8E;
	s24 =	sld [smem:$0x3FFE];
	[sflag:s23] =	ssyncadd.s32 $0xFFFFFFFF  }
0xa5: {  	s26 =	simm.s32 $execute0_lowered;
	[smem:$0x3FD2] =	sst s25  }
0xa6: {  	s4 =	sshll.u32 s26, $0x1;
	_ =	strace $0x80000049;
	[dreg:$0x1] =	wrdreg $0xFFFFFFFF  }
0xa7: {  	s28 =	simm.s32 $_size_execute0_lowered;
	s2 =	sadd.s32 s2, s4;
	[dreg:$0x0] =	wrdreg $0x0  }
0xa8: {  	s4 =	sshll.u32 s28, $0x1;
	[dreg:$0x2] =	wrdreg s2  }
0xa9: {  	[dreg:$0x3] =	wrdreg s4  }
0xaa: {  	[dreg:$0x4] =	wrdreg $0xC0  }
0xab: {  	_ =	task [dreg:s6], $0x5FFFF  }
0xac: {  	[dreg:$0x1] =	wrdreg $0xFFFFFFFF  }
0xad: {  	[dreg:$0x0] =	wrdreg $0x60  }
0xae: {  	[dreg:$0x2] =	wrdreg s24  }
0xaf: {  	[dreg:$0x3] =	wrdreg $0x150000  }
0xb0: {  	[dreg:$0x4] =	wrdreg $0x9  }
0xb1: {  	_ =	task.clear_ibuf [dreg:s6], $0x5FFFF;
	_ =	strace $0x90000049  }
0xb2: {  	s29 =	simm.s32 $0x9;
	_ =	strace $0x8000004B  }
0xb3: {  	_ =	swait.ge [sflag:s29], $0x1  }
0xb4: {  	[sflag:s29] =	ssyncadd.s32 $0xFFFFFFFF  }
0xb5: {  	_ =	strace $0x9000004B  }
0xb6: {  	_ =	sfence  }
0xb7: {  	s30 =	sld [smem:$0x0];
	_ =	sdelay $0x2  }
0xb8: {  	s31 =	sshll.u32 s1, $0xD;
	s1 =	sshrl.u32 s1, $0x2  }
0xb9: {  	s3 =	sand.u32 $0x4000, s31;
	s1 =	sadd.s32 s1, s30  }
0xba: {  	s0 =	sor.u32 s3, s0;
	s1 =	sshll.u32 s1, $0x11  }
0xbb: {  	s0 =	sor.u32 s1, s0  }
0xbc: {  	s0 =	sadd.s32 $0x8F2B, s0  }
0xbd: {  	[sflag:s0] =	ssyncadd.remote.s32 $0x1  }
0xbe: {  	_ =	sfence.sel $0xFFFF  }
0xbf: {  	[dreg:$0x0] =	wrdreg $0xFFFFFFFF;
	(pc) =	sbr.abs _section_cstart, $3  }
0xc0: {  	[dreg:$0x1] =	wrdreg $0xFFFFFFFF  }
0xc1: {  	_ =	task.clear_ibuf [dreg:s6], $0x2FFFF;
	_ =	strace $0x9FFFFFFF  }
0xc2: {  	(tm) =	ssettm $0x7FFFFFFF  }
0xc3: {  	_ =	shalt  }
tec
execute0_lowered:
.L_overlay_start_1:
0x0: {  	(tag) =	ssettag $0x1  }
0x1: {  	s0 =	srdreg.scid  }
0x2: {  	s3 =	stileid.u32;
	s5 =	rddreg [dreg:$0x0]  }
0x3: {  	s2 =	rddreg [dreg:$0x1];
	s10 =	simm.s32 $0x0;
	s11 =	simm.s32 $0x5000  }
0x4: {  	s15 =	simm.s32 $0x9;
	s17 =	simm.s32 $0x80;
	s20 =	simm.s32 $0x9000  }
0x5: {  	s29 =	simm.s32 $0x11000;
	s30 =	simm.s32 $0x1;
	s31 =	simm.s32 $0x13000  }
0x6: {  	s16 =	simm.s32 $0x4;
	s18 =	simm.s32 $0x6;
	s8 =	smul.u32 $0x28000, s3  }
0x7: {  	s0 =	sand.u32 $0x1, s0;
	s1 =	sshll.u32 s3, $0x1;
	s6 =	smul.u32 $0xA000, s3  }
0x8: {  	[smem:$0x7FF] =	sst s10;
	s4 =	sadd.s32 $0x1F200, s5;
	s8 =	sshrl.u32 s8, $0x2  }
0x9: {  	s1 =	sor.u32 s0, s1;
	s7 =	smul.u32 $0xA0000, s0;
	s8 =	sadd.s32 s8, s2  }
0xa: {  	_ =	strace $0x8000004A;
	s0 =	ssub.s32 $0x2, s0;
	s22 =	sadd.s32 $0x2000, s8  }
0xb: {  	s1 =	smul.u32 $0x500, s1;
	s23 =	sadd.s32 $0x4000, s8;
	[dreg:$0x5] =	wrdreg s22  }
0xc: {  	s9 =	sshrl.u32 s0, $0x1;
	s24 =	sadd.s32 $0x6000, s8;
	[dreg:$0x6] =	wrdreg s23  }
0xd: {  	s0 =	ssub.s32 s0, s9;
	s25 =	sadd.s32 $0x8000, s8;
	[dreg:$0x7] =	wrdreg s24  }
0xe: {  	s1 =	sadd.s32 s1, s5;
	s0 =	smax.u32 s0, $0x1;
	[dreg:$0x8] =	wrdreg s25  }
0xf: {  	s7 =	sadd.s32 s6, s7;
	s26 =	sadd.s32 $0x15200, s1;
	[dreg:$0xc] =	wrdreg s0  }
0x10: {  	s7 =	sshrl.u32 s7, $0x3;
	s1 =	sadd.s32 $0x1200, s1;
	[dreg:$0x9] =	wrdreg s26  }
0x11: {  	s7 =	sadd.s32 s7, s5;
	s5 =	sadd.s32 s6, s2;
	[dreg:$0xa] =	wrdreg s1  }
0x12: {  	s19 =	simm.s32 $0x8;
	s28 =	sadd.s32 $0x32C00, s7;
	[dreg:$0x4] =	wrdreg s5  }
0x13: {  	v0 =	vimm.f32 $0.0e+00;
	s24 =	simm.s32 $0xD000;
	s1 =	simm.s32 $0x2;
	[dreg:$0xb] =	wrdreg s28  }
.LBB2_1:
0x14: {  	[dreg:$0x3] =	wrdreg s10;
	s6 =	simm.s32 $0x100;
	s0 =	simm.s32 $0x0  }
.LBB2_2:
0x15: {  	p0 =	sne.s32 s6, $0x7F00;
	[tilespmem:s0+$0x5030] =	vst v0;
	s7 =	smov.u32 s6;
	s6 =	sadd.s32 $0x100, s6  }
.Ltmp0:
0x16: {  	[tilespmem:s0+$0x5020] =	vst v0;
	(pc) =	sbr.rel @p0 .LBB2_2-.Ltmp0, $3  }
0x17: {  	[tilespmem:s0+$0x5000] =	vst v0  }
0x18: {  	[tilespmem:s0+$0x5010] =	vst v0;
	_ =	sdelay $0x1  }
0x19: {  	s0 =	sshra.s32 s7, $0x2  }
0x1a: {  	[tilespmem:s0+$0x5030] =	vst v0  }
0x1b: {  	[tilespmem:s0+$0x5020] =	vst v0  }
0x1c: {  	[tilespmem:s0+$0x5000] =	vst v0  }
0x1d: {  	[tilespmem:s0+$0x5010] =	vst v0  }
0x1e: {  	[spmem:s5] =	stream.linear.scatter [tilespmem:s11], [sflag:$0x9], $0x2000, $0x38;
	[tilespmem:$0x1F000] =	vst v63  }
0x1f: {  	_ =	swait.ge [sflag:s15], $0x2000  }
0x20: {  	[sflag:s15] =	ssyncset.done $0x0  }
0x21: {  	s14 =	rddreg [dreg:$0x5];
	[sflag:s15] =	ssyncadd.s32 $0xFFFFE000  }
0x22: {  	[spmem:s14] =	stream.linear.scatter [tilespmem:s11], [sflag:$0x9], $0x2000, $0x38;
	[tilespmem:$0x1F000] =	vst v63  }
0x23: {  	_ =	swait.ge [sflag:s15], $0x2000  }
0x24: {  	[sflag:s15] =	ssyncset.done $0x0  }
0x25: {  	s21 =	rddreg [dreg:$0x6];
	[sflag:s15] =	ssyncadd.s32 $0xFFFFE000  }
0x26: {  	[spmem:s21] =	stream.linear.scatter [tilespmem:s11], [sflag:$0x9], $0x2000, $0x38;
	[tilespmem:$0x1F000] =	vst v63  }
0x27: {  	_ =	swait.ge [sflag:s15], $0x2000  }
0x28: {  	[sflag:s15] =	ssyncset.done $0x0  }
0x29: {  	s22 =	rddreg [dreg:$0x7];
	[sflag:s15] =	ssyncadd.s32 $0xFFFFE000  }
0x2a: {  	[spmem:s22] =	stream.linear.scatter [tilespmem:s11], [sflag:$0x9], $0x2000, $0x38;
	[tilespmem:$0x1F000] =	vst v63  }
0x2b: {  	_ =	swait.ge [sflag:s15], $0x2000  }
0x2c: {  	[sflag:s15] =	ssyncset.done $0x0  }
0x2d: {  	s23 =	rddreg [dreg:$0x8];
	[sflag:s15] =	ssyncadd.s32 $0xFFFFE000  }
0x2e: {  	[spmem:s23] =	stream.linear.scatter [tilespmem:s11], [sflag:$0x9], $0x2000, $0x38;
	[tilespmem:$0x1F000] =	vst v63  }
0x2f: {  	_ =	swait.ge [sflag:s15], $0x2000  }
0x30: {  	[sflag:s15] =	ssyncset.done $0x0  }
0x31: {  	s25 =	simm.s32 $0x0;
	s3 =	rddreg [dreg:$0x9];
	[sflag:s15] =	ssyncadd.s32 $0xFFFFE000  }
0x32: {  	[tilespmem:s25], [sflag:$0x9] =	stream.linear.gather [hbm4b:s3+s25], $0x2800, $0x38;
	[tilespmem:$0x1F000] =	vst v63  }
0x33: {  	_ =	swait.ge [sflag:s15], $0x2800  }
0x34: {  	[sflag:s15] =	ssyncset.done $0x0  }
0x35: {  	s28 =	simm.s32 $0x2800;
	s26 =	rddreg [dreg:$0xa];
	[sflag:s15] =	ssyncadd.s32 $0xFFFFD800  }
0x36: {  	[tilespmem:s28], [sflag:$0x9] =	stream.linear.gather [hbm4b:s26+s25], $0x2800, $0x38;
	[tilespmem:$0x1F000] =	vst v63  }
0x37: {  	_ =	swait.ge [sflag:s15], $0x2800  }
0x38: {  	[sflag:s15] =	ssyncset.done $0x0  }
0x39: {  	[sflag:s15] =	ssyncadd.s32 $0xFFFFD800  }
0x3a: {  	[bflag:$0x0] =	sbarrier.arrive $0xFFFF  }
0x3b: {  	[tilespmem:s11], [sflag:$0x1] =	stream.indirect.gather [hbm4b:s4+s17], $0x40, s25, s17, $0xb8;
	[tilespmem:$0x1F000] =	vst v63  }
0x3c: {  	s6 =	simm.s32 $0x7000  }
0x3d: {  	[tilespmem:s6], [sflag:$0x2] =	stream.indirect.gather [hbm4b:s4+s17], $0x40, s17, s17, $0xb8;
	[tilespmem:$0x1F000] =	vst v63  }
0x3e: {  	s7 =	simm.s32 $0x100  }
0x3f: {  	[tilespmem:s20], [sflag:$0x3] =	stream.indirect.gather [hbm4b:s4+s17], $0x40, s7, s17, $0xb8;
	[tilespmem:$0x1F000] =	vst v63  }
0x40: {  	s8 =	simm.s32 $0x180;
	s9 =	simm.s32 $0xB000  }
0x41: {  	[tilespmem:s9], [sflag:$0x4] =	stream.indirect.gather [hbm4b:s4+s17], $0x40, s8, s17, $0xb8;
	[tilespmem:$0x1F000] =	vst v63  }
0x42: {  	s10 =	simm.s32 $0x200  }
0x43: {  	[tilespmem:s24], [sflag:$0x5] =	stream.indirect.gather [hbm4b:s4+s17], $0x40, s10, s17, $0xb8;
	[tilespmem:$0x1F000] =	vst v63  }
0x44: {  	s12 =	simm.s32 $0x280;
	s13 =	simm.s32 $0xF000  }
0x45: {  	[tilespmem:s13], [sflag:$0x6] =	stream.indirect.gather [hbm4b:s4+s17], $0x40, s12, s17, $0xb8;
	[tilespmem:$0x1F000] =	vst v63  }
0x46: {  	s14 =	simm.s32 $0x300  }
0x47: {  	[tilespmem:s29], [sflag:$0x7] =	stream.indirect.gather [hbm4b:s4+s17], $0x40, s14, s17, $0xb8;
	[tilespmem:$0x1F000] =	vst v63  }
0x48: {  	_ =	swait.ge [sflag:s30], $0x2000  }
0x49: {  	[sflag:s30] =	ssyncset.done $0x0  }
0x4a: {  	s21 =	simm.s32 $0x380;
	[sflag:s30] =	ssyncadd.s32 $0xFFFFE000  }
0x4b: {  	[tilespmem:s31], [sflag:$0x8] =	stream.indirect.gather [hbm4b:s4+s17], $0x40, s21, s17, $0xb8;
	[tilespmem:$0x1F000] =	vst v63  }
0x4c: {  	s22 =	simm.s32 $0x2800  }
0x4d: {  	[spmem:s2] =	stream.indirect.scatter.add.f32 [tilespmem:s11], [sflag:$0x9], $0x40, s22, s17, $0xb8;
	[tilespmem:$0x1F000] =	vst v63  }
0x4e: {  	_ =	swait.ge [sflag:s15], $0x2000  }
0x4f: {  	[sflag:s15] =	ssyncset.done $0x0  }
0x50: {  	[sflag:s15] =	ssyncadd.s32 $0xFFFFE000  }
0x51: {  	p0 =	por $0x0, $0x0;
	_ =	swait.ge [sflag:s1], $0x2000  }
0x52: {  	s0 =	simm.s32 @p0 $0x2880;
	[sflag:s1] =	ssyncset.done $0x0  }
0x53: {  	s6 =	simm.s32 @p0 $0x80;
	s7 =	simm.s32 @p0 $0x7000;
	[sflag:s1] =	ssyncadd.s32 $0xFFFFE000  }
0x54: {  	[spmem:s2] =	stream.indirect.scatter.add.f32 @p0 [tilespmem:s7], [sflag:$0x9], $0x40, s0, s6, $0xb8;
	[tilespmem:$0x1F000] =	vst v63  }
0x55: {  	s7 =	simm.s32 @p0 $0x9  }
0x56: {  	_ =	swait.ge @p0 [sflag:s7], $0x2000  }
0x57: {  	[sflag:s7] =	ssyncset.done @p0 $0x0  }
0x58: {  	s8 =	simm.s32 @p0 $0x3;
	[sflag:s7] =	ssyncadd.s32 @p0 $0xFFFFE000  }
0x59: {  	_ =	swait.ge @p0 [sflag:s8], $0x2000  }
0x5a: {  	s9 =	simm.s32 @!p0 $0x400;
	[sflag:s8] =	ssyncset.done @p0 $0x0  }
0x5b: {  	s10 =	simm.s32 @!p0 $0x5000;
	s0 =	simm.s32 @!p0 $0x80;
	[sflag:s8] =	ssyncadd.s32 @p0 $0xFFFFE000  }
0x5c: {  	[tilespmem:s10], [sflag:$0x1] =	stream.indirect.gather @!p0 [hbm4b:s4+s0], $0x40, s9, s0, $0xb8;
	[tilespmem:$0x1F000] =	vst v63  }
0x5d: {  	s8 =	simm.s32 @!p0 $0x9;
	s9 =	simm.s32 @!p0 $0x2880;
	s10 =	simm.s32 @!p0 $0x7000  }
0x5e: {  	[spmem:s2] =	stream.indirect.scatter.add.f32 @!p0 [tilespmem:s10], [sflag:$0x9], $0x40, s9, s0, $0xb8;
	[tilespmem:$0x1F000] =	vst v63  }
0x5f: {  	_ =	swait.ge @!p0 [sflag:s8], $0x2000  }
0x60: {  	[sflag:s8] =	ssyncset.done @!p0 $0x0  }
0x61: {  	s9 =	simm.s32 @!p0 $0x3;
	[sflag:s8] =	ssyncadd.s32 @!p0 $0xFFFFE000  }
0x62: {  	_ =	swait.ge @!p0 [sflag:s9], $0x2000  }
0x63: {  	[sflag:s9] =	ssyncset.done @!p0 $0x0  }
0x64: {  	[sflag:s9] =	ssyncadd.s32 @!p0 $0xFFFFE000;
	s9 =	simm.s32 @!p0 $0x480  }
0x65: {  	[tilespmem:s10], [sflag:$0x2] =	stream.indirect.gather @!p0 [hbm4b:s4+s0], $0x40, s9, s0, $0xb8;
	[tilespmem:$0x1F000] =	vst v63  }
0x66: {  	s23 =	simm.s32 $0x2900  }
0x67: {  	[spmem:s2] =	stream.indirect.scatter.add.f32 [tilespmem:s20], [sflag:$0x9], $0x40, s23, s17, $0xb8;
	[tilespmem:$0x1F000] =	vst v63  }
0x68: {  	_ =	swait.ge [sflag:s15], $0x2000  }
0x69: {  	[sflag:s15] =	ssyncset.done $0x0  }
0x6a: {  	[sflag:s15] =	ssyncadd.s32 $0xFFFFE000  }
0x6b: {  	_ =	swait.ge [sflag:s16], $0x2000  }
0x6c: {  	[sflag:s16] =	ssyncset.done $0x0  }
0x6d: {  	s9 =	simm.s32 @p0 $0x2980;
	s10 =	simm.s32 @p0 $0xB000;
	[sflag:s16] =	ssyncadd.s32 $0xFFFFE000  }
0x6e: {  	[spmem:s2] =	stream.indirect.scatter.add.f32 @p0 [tilespmem:s10], [sflag:$0x9], $0x40, s9, s6, $0xb8;
	[tilespmem:$0x1F000] =	vst v63  }
0x6f: {  	_ =	swait.ge @p0 [sflag:s7], $0x2000  }
0x70: {  	[sflag:s7] =	ssyncset.done @p0 $0x0  }
0x71: {  	s9 =	simm.s32 @p0 $0x5;
	[sflag:s7] =	ssyncadd.s32 @p0 $0xFFFFE000  }
0x72: {  	_ =	swait.ge @p0 [sflag:s9], $0x2000  }
0x73: {  	[sflag:s9] =	ssyncset.done @p0 $0x0  }
0x74: {  	s10 =	simm.s32 @!p0 $0x500;
	[sflag:s9] =	ssyncadd.s32 @p0 $0xFFFFE000;
	s9 =	simm.s32 @!p0 $0x9000  }
0x75: {  	[tilespmem:s9], [sflag:$0x3] =	stream.indirect.gather @!p0 [hbm4b:s4+s0], $0x40, s10, s0, $0xb8;
	[tilespmem:$0x1F000] =	vst v63  }
0x76: {  	s9 =	simm.s32 @!p0 $0x2980;
	s10 =	simm.s32 @!p0 $0xB000  }
0x77: {  	[spmem:s2] =	stream.indirect.scatter.add.f32 @!p0 [tilespmem:s10], [sflag:$0x9], $0x40, s9, s0, $0xb8;
	[tilespmem:$0x1F000] =	vst v63  }
0x78: {  	_ =	swait.ge @!p0 [sflag:s8], $0x2000  }
0x79: {  	[sflag:s8] =	ssyncset.done @!p0 $0x0  }
0x7a: {  	s9 =	simm.s32 @!p0 $0x5;
	[sflag:s8] =	ssyncadd.s32 @!p0 $0xFFFFE000  }
0x7b: {  	_ =	swait.ge @!p0 [sflag:s9], $0x2000  }
0x7c: {  	[sflag:s9] =	ssyncset.done @!p0 $0x0  }
0x7d: {  	[sflag:s9] =	ssyncadd.s32 @!p0 $0xFFFFE000;
	s9 =	simm.s32 @!p0 $0x580  }
0x7e: {  	[tilespmem:s10], [sflag:$0x4] =	stream.indirect.gather @!p0 [hbm4b:s4+s0], $0x40, s9, s0, $0xb8;
	[tilespmem:$0x1F000] =	vst v63  }
0x7f: {  	s25 =	simm.s32 $0x2A00  }
0x80: {  	[spmem:s2] =	stream.indirect.scatter.add.f32 [tilespmem:s24], [sflag:$0x9], $0x40, s25, s17, $0xb8;
	[tilespmem:$0x1F000] =	vst v63  }
0x81: {  	_ =	swait.ge [sflag:s15], $0x2000  }
0x82: {  	[sflag:s15] =	ssyncset.done $0x0  }
0x83: {  	[sflag:s15] =	ssyncadd.s32 $0xFFFFE000  }
0x84: {  	_ =	swait.ge [sflag:s18], $0x2000  }
0x85: {  	[sflag:s18] =	ssyncset.done $0x0  }
0x86: {  	s9 =	simm.s32 @p0 $0x2A80;
	s10 =	simm.s32 @p0 $0xF000;
	[sflag:s18] =	ssyncadd.s32 $0xFFFFE000  }
0x87: {  	[spmem:s2] =	stream.indirect.scatter.add.f32 @p0 [tilespmem:s10], [sflag:$0x9], $0x40, s9, s6, $0xb8;
	[tilespmem:$0x1F000] =	vst v63  }
0x88: {  	_ =	swait.ge @p0 [sflag:s7], $0x2000  }
0x89: {  	[sflag:s7] =	ssyncset.done @p0 $0x0  }
0x8a: {  	s6 =	simm.s32 @p0 $0x7;
	[sflag:s7] =	ssyncadd.s32 @p0 $0xFFFFE000  }
0x8b: {  	_ =	swait.ge @p0 [sflag:s6], $0x2000  }
0x8c: {  	[sflag:s6] =	ssyncset.done @p0 $0x0  }
0x8d: {  	s7 =	simm.s32 @!p0 $0x600;
	[sflag:s6] =	ssyncadd.s32 @p0 $0xFFFFE000;
	s6 =	simm.s32 @!p0 $0xD000  }
0x8e: {  	[tilespmem:s6], [sflag:$0x5] =	stream.indirect.gather @!p0 [hbm4b:s4+s0], $0x40, s7, s0, $0xb8;
	[tilespmem:$0x1F000] =	vst v63  }
0x8f: {  	s6 =	simm.s32 @!p0 $0x2A80;
	s7 =	simm.s32 @!p0 $0xF000  }
0x90: {  	[spmem:s2] =	stream.indirect.scatter.add.f32 @!p0 [tilespmem:s7], [sflag:$0x9], $0x40, s6, s0, $0xb8;
	[tilespmem:$0x1F000] =	vst v63  }
0x91: {  	_ =	swait.ge @!p0 [sflag:s8], $0x2000  }
0x92: {  	[sflag:s8] =	ssyncset.done @!p0 $0x0  }
0x93: {  	s6 =	simm.s32 @!p0 $0x7;
	[sflag:s8] =	ssyncadd.s32 @!p0 $0xFFFFE000  }
0x94: {  	_ =	swait.ge @!p0 [sflag:s6], $0x2000  }
0x95: {  	[sflag:s6] =	ssyncset.done @!p0 $0x0  }
0x96: {  	[sflag:s6] =	ssyncadd.s32 @!p0 $0xFFFFE000;
	s6 =	simm.s32 @!p0 $0x680  }
0x97: {  	[tilespmem:s7], [sflag:$0x6] =	stream.indirect.gather @!p0 [hbm4b:s4+s0], $0x40, s6, s0, $0xb8;
	[tilespmem:$0x1F000] =	vst v63  }
0x98: {  	s26 =	simm.s32 $0x2B00  }
0x99: {  	[spmem:s2] =	stream.indirect.scatter.add.f32 [tilespmem:s29], [sflag:$0x9], $0x40, s26, s17, $0xb8;
	[tilespmem:$0x1F000] =	vst v63  }
0x9a: {  	_ =	swait.ge [sflag:s15], $0x2000  }
0x9b: {  	[sflag:s15] =	ssyncset.done $0x0  }
0x9c: {  	[sflag:s15] =	ssyncadd.s32 $0xFFFFE000  }
0x9d: {  	_ =	swait.ge [sflag:s19], $0x2000  }
0x9e: {  	[sflag:s19] =	ssyncset.done $0x0  }
0x9f: {  	s6 =	simm.s32 @!p0 $0x700;
	s7 =	simm.s32 @!p0 $0x11000;
	[sflag:s19] =	ssyncadd.s32 $0xFFFFE000  }
0xa0: {  	[tilespmem:s7], [sflag:$0x7] =	stream.indirect.gather @!p0 [hbm4b:s4+s0], $0x40, s6, s0, $0xb8;
	[tilespmem:$0x1F000] =	vst v63  }
0xa1: {  	s28 =	simm.s32 $0x2B80  }
0xa2: {  	[spmem:s2] =	stream.indirect.scatter.add.f32 [tilespmem:s31], [sflag:$0x9], $0x40, s28, s17, $0xb8;
	[tilespmem:$0x1F000] =	vst v63  }
0xa3: {  	s21 =	simm.s32 $0x1000;
	_ =	swait.ge [sflag:s15], $0x2000  }
.LBB2_4:
0xa4: {  	[sflag:s15] =	ssyncset.done $0x0;
	s0 =	smov.u32 s21;
	s21 =	sadd.s32 $0x1000, s21  }
0xa5: {  	p0 =	sne.s32 s21, $0xA000;
	[sflag:s15] =	ssyncadd.s32 $0xFFFFE000  }
0xa6: {  	_ =	swait.ge [sflag:s30], $0x2000  }
0xa7: {  	s22 =	sshra.s32 s0, $0x2;
	[sflag:s30] =	ssyncset.done $0x0  }
0xa8: {  	s6 =	sadd.s32 $0x380, s22;
	[sflag:s30] =	ssyncadd.s32 $0xFFFFE000  }
0xa9: {  	[tilespmem:s31], [sflag:$0x8] =	stream.indirect.gather [hbm4b:s4+s17], $0x40, s6, s17, $0xb8;
	[tilespmem:$0x1F000] =	vst v63  }
0xaa: {  	s6 =	sadd.s32 $0x2800, s22  }
0xab: {  	[spmem:s2] =	stream.indirect.scatter.add.f32 [tilespmem:s11], [sflag:$0x9], $0x40, s6, s17, $0xb8;
	[tilespmem:$0x1F000] =	vst v63  }
0xac: {  	_ =	swait.ge [sflag:s15], $0x2000  }
0xad: {  	[sflag:s15] =	ssyncset.done $0x0  }
0xae: {  	[sflag:s15] =	ssyncadd.s32 $0xFFFFE000  }
0xaf: {  	p1 =	seq.s32 s0, $0x9000;
	_ =	swait.ge [sflag:s1], $0x2000  }
0xb0: {  	s26 =	simm.s32 @p1 $0x80;
	s6 =	sshra.s32 @p1 s0, $0x2;
	[sflag:s1] =	ssyncset.done $0x0  }
0xb1: {  	s8 =	simm.s32 @p1 $0x7000;
	s7 =	sadd.s32 @p1 $0x2880, s6;
	[sflag:s1] =	ssyncadd.s32 $0xFFFFE000  }
0xb2: {  	[spmem:s2] =	stream.indirect.scatter.add.f32 @p1 [tilespmem:s8], [sflag:$0x9], $0x40, s7, s26, $0xb8;
	[tilespmem:$0x1F000] =	vst v63  }
0xb3: {  	s28 =	simm.s32 @p1 $0x9;
	s25 =	sshra.s32 @!p1 s0, $0x2;
	s13 =	sadd.s32 @p1 $0x2980, s6  }
0xb4: {  	s5 =	sadd.s32 @!p1 $0x2880, s25;
	s0 =	sadd.s32 @!p1 $0x400, s25;
	_ =	swait.ge @p1 [sflag:s28], $0x2000  }
0xb5: {  	s3 =	sadd.s32 @!p1 $0x480, s25;
	s7 =	simm.s32 @p1 $0x3;
	[sflag:s28] =	ssyncset.done @p1 $0x0  }
0xb6: {  	s12 =	sadd.s32 @!p1 $0x500, s25;
	s11 =	sadd.s32 @!p1 $0x2980, s25;
	[sflag:s28] =	ssyncadd.s32 @p1 $0xFFFFE000  }
0xb7: {  	s10 =	sadd.s32 @!p1 $0x580, s25;
	s9 =	sadd.s32 @p1 $0x2A80, s6;
	_ =	swait.ge @p1 [sflag:s7], $0x2000  }
0xb8: {  	s23 =	simm.s32 @!p1 $0x80;
	s6 =	simm.s32 @!p1 $0x5000;
	[sflag:s7] =	ssyncset.done @p1 $0x0  }
0xb9: {  	s14 =	simm.s32 @!p1 $0x7000;
	[sflag:s7] =	ssyncadd.s32 @p1 $0xFFFFE000;
	s7 =	sadd.s32 @!p1 $0x600, s25  }
0xba: {  	[tilespmem:s6], [sflag:$0x1] =	stream.indirect.gather @!p1 [hbm4b:s4+s23], $0x40, s0, s23, $0xb8;
	[tilespmem:$0x1F000] =	vst v63  }
0xbb: {  	s8 =	sadd.s32 @!p1 $0x2A80, s25;
	s6 =	simm.s32 @!p1 $0x9;
	s0 =	sadd.s32 @!p1 $0x680, s25  }
0xbc: {  	[spmem:s2] =	stream.indirect.scatter.add.f32 @!p1 [tilespmem:s14], [sflag:$0x9], $0x40, s5, s23, $0xb8;
	[tilespmem:$0x1F000] =	vst v63  }
0xbd: {  	s25 =	sadd.s32 @!p1 $0x700, s25;
	_ =	swait.ge @!p1 [sflag:s6], $0x2000  }
0xbe: {  	s5 =	simm.s32 @!p1 $0x3;
	[sflag:s6] =	ssyncset.done @!p1 $0x0  }
0xbf: {  	[sflag:s6] =	ssyncadd.s32 @!p1 $0xFFFFE000  }
0xc0: {  	_ =	swait.ge @!p1 [sflag:s5], $0x2000  }
0xc1: {  	[sflag:s5] =	ssyncset.done @!p1 $0x0  }
0xc2: {  	[sflag:s5] =	ssyncadd.s32 @!p1 $0xFFFFE000;
	s5 =	sadd.s32 $0x2900, s22  }
0xc3: {  	[tilespmem:s14], [sflag:$0x2] =	stream.indirect.gather @!p1 [hbm4b:s4+s23], $0x40, s3, s23, $0xb8;
	[tilespmem:$0x1F000] =	vst v63  }
0xc4: {  	_ = 	snop  }
0xc5: {  	[spmem:s2] =	stream.indirect.scatter.add.f32 [tilespmem:s20], [sflag:$0x9], $0x40, s5, s17, $0xb8;
	[tilespmem:$0x1F000] =	vst v63  }
0xc6: {  	_ =	swait.ge [sflag:s15], $0x2000  }
0xc7: {  	[sflag:s15] =	ssyncset.done $0x0  }
0xc8: {  	[sflag:s15] =	ssyncadd.s32 $0xFFFFE000  }
0xc9: {  	_ =	swait.ge [sflag:s16], $0x2000  }
0xca: {  	s3 =	simm.s32 @p1 $0xB000;
	[sflag:s16] =	ssyncset.done $0x0  }
0xcb: {  	[sflag:s16] =	ssyncadd.s32 $0xFFFFE000  }
0xcc: {  	[spmem:s2] =	stream.indirect.scatter.add.f32 @p1 [tilespmem:s3], [sflag:$0x9], $0x40, s13, s26, $0xb8;
	[tilespmem:$0x1F000] =	vst v63  }
0xcd: {  	_ =	swait.ge @p1 [sflag:s28], $0x2000  }
0xce: {  	s3 =	simm.s32 @p1 $0x5;
	[sflag:s28] =	ssyncset.done @p1 $0x0  }
0xcf: {  	[sflag:s28] =	ssyncadd.s32 @p1 $0xFFFFE000  }
0xd0: {  	_ =	swait.ge @p1 [sflag:s3], $0x2000  }
0xd1: {  	s5 =	simm.s32 @!p1 $0x9000;
	[sflag:s3] =	ssyncset.done @p1 $0x0  }
0xd2: {  	[sflag:s3] =	ssyncadd.s32 @p1 $0xFFFFE000;
	s3 =	simm.s32 @!p1 $0xB000  }
0xd3: {  	[tilespmem:s5], [sflag:$0x3] =	stream.indirect.gather @!p1 [hbm4b:s4+s23], $0x40, s12, s23, $0xb8;
	[tilespmem:$0x1F000] =	vst v63  }
0xd4: {  	_ = 	snop  }
0xd5: {  	[spmem:s2] =	stream.indirect.scatter.add.f32 @!p1 [tilespmem:s3], [sflag:$0x9], $0x40, s11, s23, $0xb8;
	[tilespmem:$0x1F000] =	vst v63  }
0xd6: {  	s11 =	simm.s32 $0x5000  }
0xd7: {  	_ =	swait.ge @!p1 [sflag:s6], $0x2000  }
0xd8: {  	s5 =	simm.s32 @!p1 $0x5;
	[sflag:s6] =	ssyncset.done @!p1 $0x0  }
0xd9: {  	[sflag:s6] =	ssyncadd.s32 @!p1 $0xFFFFE000  }
0xda: {  	_ =	swait.ge @!p1 [sflag:s5], $0x2000  }
0xdb: {  	[sflag:s5] =	ssyncset.done @!p1 $0x0  }
0xdc: {  	[sflag:s5] =	ssyncadd.s32 @!p1 $0xFFFFE000;
	s5 =	sadd.s32 $0x2A00, s22  }
0xdd: {  	[tilespmem:s3], [sflag:$0x4] =	stream.indirect.gather @!p1 [hbm4b:s4+s23], $0x40, s10, s23, $0xb8;
	[tilespmem:$0x1F000] =	vst v63  }
0xde: {  	_ = 	snop  }
0xdf: {  	[spmem:s2] =	stream.indirect.scatter.add.f32 [tilespmem:s24], [sflag:$0x9], $0x40, s5, s17, $0xb8;
	[tilespmem:$0x1F000] =	vst v63  }
0xe0: {  	_ =	swait.ge [sflag:s15], $0x2000  }
0xe1: {  	[sflag:s15] =	ssyncset.done $0x0  }
0xe2: {  	[sflag:s15] =	ssyncadd.s32 $0xFFFFE000  }
0xe3: {  	_ =	swait.ge [sflag:s18], $0x2000  }
0xe4: {  	s3 =	simm.s32 @p1 $0xF000;
	[sflag:s18] =	ssyncset.done $0x0  }
0xe5: {  	[sflag:s18] =	ssyncadd.s32 $0xFFFFE000  }
0xe6: {  	[spmem:s2] =	stream.indirect.scatter.add.f32 @p1 [tilespmem:s3], [sflag:$0x9], $0x40, s9, s26, $0xb8;
	[tilespmem:$0x1F000] =	vst v63  }
0xe7: {  	_ =	swait.ge @p1 [sflag:s28], $0x2000  }
0xe8: {  	s3 =	simm.s32 @p1 $0x7;
	[sflag:s28] =	ssyncset.done @p1 $0x0  }
0xe9: {  	[sflag:s28] =	ssyncadd.s32 @p1 $0xFFFFE000  }
0xea: {  	_ =	swait.ge @p1 [sflag:s3], $0x2000  }
0xeb: {  	s5 =	simm.s32 @!p1 $0xD000;
	[sflag:s3] =	ssyncset.done @p1 $0x0  }
0xec: {  	[sflag:s3] =	ssyncadd.s32 @p1 $0xFFFFE000;
	s3 =	simm.s32 @!p1 $0xF000  }
0xed: {  	[tilespmem:s5], [sflag:$0x5] =	stream.indirect.gather @!p1 [hbm4b:s4+s23], $0x40, s7, s23, $0xb8;
	[tilespmem:$0x1F000] =	vst v63  }
0xee: {  	_ = 	snop  }
0xef: {  	[spmem:s2] =	stream.indirect.scatter.add.f32 @!p1 [tilespmem:s3], [sflag:$0x9], $0x40, s8, s23, $0xb8;
	[tilespmem:$0x1F000] =	vst v63  }
0xf0: {  	_ =	swait.ge @!p1 [sflag:s6], $0x2000  }
0xf1: {  	s5 =	simm.s32 @!p1 $0x7;
	[sflag:s6] =	ssyncset.done @!p1 $0x0  }
0xf2: {  	[sflag:s6] =	ssyncadd.s32 @!p1 $0xFFFFE000  }
0xf3: {  	_ =	swait.ge @!p1 [sflag:s5], $0x2000  }
0xf4: {  	[sflag:s5] =	ssyncset.done @!p1 $0x0  }
0xf5: {  	[sflag:s5] =	ssyncadd.s32 @!p1 $0xFFFFE000;
	s5 =	sadd.s32 $0x2B00, s22  }
0xf6: {  	[tilespmem:s3], [sflag:$0x6] =	stream.indirect.gather @!p1 [hbm4b:s4+s23], $0x40, s0, s23, $0xb8;
	[tilespmem:$0x1F000] =	vst v63  }
0xf7: {  	_ = 	snop  }
0xf8: {  	[spmem:s2] =	stream.indirect.scatter.add.f32 [tilespmem:s29], [sflag:$0x9], $0x40, s5, s17, $0xb8;
	[tilespmem:$0x1F000] =	vst v63  }
0xf9: {  	_ =	swait.ge [sflag:s15], $0x2000  }
0xfa: {  	[sflag:s15] =	ssyncset.done $0x0  }
0xfb: {  	[sflag:s15] =	ssyncadd.s32 $0xFFFFE000  }
0xfc: {  	_ =	swait.ge [sflag:s19], $0x2000  }
0xfd: {  	s0 =	simm.s32 @!p1 $0x11000;
	[sflag:s19] =	ssyncset.done $0x0  }
.Ltmp1:
0xfe: {  	s3 =	sadd.s32 $0x2B80, s22;
	[sflag:s19] =	ssyncadd.s32 $0xFFFFE000;
	(pc) =	sbr.rel @p0 .LBB2_4-.Ltmp1, $4  }
0xff: {  	[tilespmem:s0], [sflag:$0x7] =	stream.indirect.gather @!p1 [hbm4b:s4+s23], $0x40, s25, s23, $0xb8;
	[tilespmem:$0x1F000] =	vst v63  }
0x100: {  	_ = 	snop  }
0x101: {  	[spmem:s2] =	stream.indirect.scatter.add.f32 [tilespmem:s31], [sflag:$0x9], $0x40, s3, s17, $0xb8;
	[tilespmem:$0x1F000] =	vst v63  }
0x102: {  	_ =	swait.ge [sflag:s15], $0x2000  }
0x103: {  	[sflag:s15] =	ssyncset.done $0x0  }
0x104: {  	[sflag:s15] =	ssyncadd.s32 $0xFFFFE000  }
0x105: {  	s0 =	stileid.u32;
	[bflag:$0x0] =	sbarrier.arrive $0xFFFF  }
0x106: {  	s0 =	sshll.u32 s0, $0x6;
	s5 =	rddreg [dreg:$0x4]  }
0x107: {  	s0 =	sor.u32 $0x1C09, s0;
	s6 =	rddreg [dreg:$0xb];
	s3 =	sshrl.u32 s5, $0x3  }
0x108: {  	[hbm:s6], [sflag:s0] =	dma.local [spmem:s3], $0x1400  }
0x109: {  	_ =	swait.ge [sflag:s15], $0x1400  }
0x10a: {  	s10 =	rddreg [dreg:$0x3]  }
0x10b: {  	s28 =	rddreg [dreg:$0xc];
	s10 =	sadd.s32 $0x1, s10  }
0x10c: {  	p0 =	sne.s32 s10, s28  }
.Ltmp2:
0x10d: {  	_ = 	snop;
	(pc) =	sbr.rel @p0 .LBB2_1-.Ltmp2, $3  }
0x10e: {  	_ =	sdelay $0x1  }
0x10f: {  	[sflag:s15] =	ssyncset.done $0x0  }
0x110: {  	[sflag:s15] =	ssyncadd.s32 $0xFFFFEC00  }
0x111: {  	_ =	sfence.sel $0x180000  }
0x112: {  	[bflag:$0x0] =	sbarrier.arrive $0xFFFF  }
0x113: {  	_ =	strace $0x9000004A  }
0x114: {  	s0 =	stileid.u32;
	[bflag:$0x2] =	sbarrier.arrive $0xFFFF  }
0x115: {  	p0 =	sne.s32 s0, $0x0;
	s0 =	rddreg [dreg:$0x2]  }
0x116: {  	s0 =	sadd.s32 @!p0 $0x100000, s0  }
0x117: {  	[sflag:s0] =	ssyncadd.tile.s32 @!p0 $0x1;
	_ =	shalt  }
.Lfunc_end2:
_tile_overlayer_lowered:
.L_overlay_start_2:
0x118: {  	(tag) =	ssettag $0x2  }
0x119: {  	s0 =	rddreg [dreg:$0x0];
	s2 =	stileid.u32  }
0x11a: {  	s1 =	rddreg [dreg:$0x1];
	p0 =	sne.s32 s2, $0x0  }
0x11b: {  	s3 =	rddreg [dreg:$0x2];
	[bflag:$0x3] =	sbarrier.arrive $0xFFFF;
	s2 =	simm.s32 @!p0 $0x1C09  }
0x11c: {  	[timem:s3], [sflag:s2] =	dma.local @!p0 [hbm:s0], s1  }
0x11d: {  	s0 =	simm.s32 @!p0 $0x9  }
0x11e: {  	_ =	swait.ge @!p0 [sflag:s0], s1  }
0x11f: {  	s1 =	ssub.s32 @!p0 $0x0, s1;
	[sflag:s0] =	ssyncset.done @!p0 $0x0  }
0x120: {  	[sflag:s0] =	ssyncadd.s32 @!p0 s1  }
0x121: {  	[bflag:$0x3] =	sbarrier.arrive $0xFFFF  }
0x122: {  	_ =	shalt  }

</sc_bundles>
